<compile_context>
chip_gen: v7x
topology: tpu7x:2x2x1
jax: 0.10.2.dev20260603
libtpu: 0.0.44.dev20260713+nightly
codegen_flags: <defaults>
</compile_context>

<pallas_src>
import functools
import jax
import jax.numpy as jnp
from jax import lax
from jax.experimental import pallas as pl
from jax.experimental.pallas import tpu as pltpu
from jax.experimental.pallas import tpu_sc as plsc

NC, NS, L = 2, 16, 16
NW = NC * NS
D = 64
BATCH, SEQ = 4096, 200
TOTAL = BATCH * SEQ
RPW = TOTAL // NW
C = SEQ
K = 2
CK = C // K
G = RPW // C
NBUF = 2

_mesh = plsc.VectorSubcoreMesh(core_axis_name="c", subcore_axis_name="s")


@functools.partial(
    pl.kernel,
    out_type=jax.ShapeDtypeStruct((TOTAL, D), jnp.float32),
    mesh=_mesh,
    scratch_types=[
        pltpu.VMEM((NBUF, K, CK), jnp.int32),
        pltpu.VMEM((NBUF, C, D), jnp.float32),
        pltpu.VMEM((NBUF, C, D), jnp.float32),
        pltpu.VMEM((C, D), jnp.float32),
        pltpu.SemaphoreType.DMA,
        pltpu.SemaphoreType.DMA,
        pltpu.SemaphoreType.DMA,
    ],
    compiler_params=pltpu.CompilerParams(use_tc_tiling_on_sc=False),
)
def _emb_kernel(tok_hbm, table_hbm, pe_hbm, out_hbm,
                idx_v, rows_v, out_v, pe_v, gsem, ssem, isem):
    wid = lax.axis_index("s") * NC + lax.axis_index("c")
    base = wid * RPW
    pltpu.sync_copy(pe_hbm.at[pl.ds(0, C)], pe_v)

    def fire_gathers(g, b):
        for j in range(K):
            pltpu.async_copy(table_hbm.at[idx_v.at[b, j]],
                             rows_v.at[b, pl.ds(j * CK, CK)], gsem)

    for b in range(NBUF):
        pltpu.sync_copy(tok_hbm.at[wid, pl.ds(b * K, K)], idx_v.at[b])
        fire_gathers(b, b)

    def outer(t, _):
        for b in range(NBUF):
            g = t * NBUF + b
            pltpu.make_async_copy(
                table_hbm.at[pl.ds(0, C)], rows_v.at[b], gsem).wait()

            @pl.when(g + NBUF < G)
            def _():
                pltpu.async_copy(
                    tok_hbm.at[wid, pl.ds((g + NBUF) * K, K)],
                    idx_v.at[b], isem)

            @pl.when(g >= NBUF)
            def _():
                pltpu.make_async_copy(
                    out_v.at[b], out_hbm.at[pl.ds(base, C)], ssem).wait()

            rb, ob = rows_v.at[b], out_v.at[b]

            def row(i, _):
                for v in range(D // L):
                    sl = pl.ds(v * L, L)
                    ob[i, sl] = rb[i, sl] * 8.0 + pe_v[i, sl]
                return 0
            lax.fori_loop(0, C, row, 0)

            pltpu.async_copy(out_v.at[b],
                             out_hbm.at[pl.ds(base + g * C, C)], ssem)

            @pl.when(g + NBUF < G)
            def _():
                pltpu.make_async_copy(
                    tok_hbm.at[wid, pl.ds(0, K)], idx_v.at[b], isem).wait()
                fire_gathers(g + NBUF, b)
        return 0

    lax.fori_loop(0, G // NBUF, outer, 0)

    for b in range(NBUF):
        pltpu.make_async_copy(
            out_v.at[b], out_hbm.at[pl.ds(base, C)], ssem).wait()


def kernel(token_sequences, embedding_weight, positional_embedding):
    tok = token_sequences.reshape(NW, RPW // CK, CK)
    pe = positional_embedding.reshape(positional_embedding.shape[1], D)
    out = _emb_kernel(tok, embedding_weight, pe)
    return out.reshape(BATCH, SEQ, D)

# --- scband reference (transcript-rebuilt; emitter-appended) ---
"""Pipeline reference for scband-token-embedding-feature-47373489275303 (READ-ONLY COPY).

The authoritative reference and input builder live on the scoring server;
editing this copy changes nothing except your own understanding.
"""

import jax, jax.numpy as jnp
import numpy as np
import math

VOCAB_SIZE = 100000
EMB_SIZE = 64
MAX_LEN = 200
BATCH = 4096
SEQ_LEN = 200

def setup_inputs(seed: int = 0) -> dict:
    key = jax.random.key(seed)
    k1, k2, k3 = jax.random.split(key, 3)
    token_sequences = jax.random.randint(k1, (BATCH, SEQ_LEN), 0, VOCAB_SIZE, dtype=jnp.int64 if jax.config.jax_enable_x64 else jnp.int32)
    embedding_weight = jax.random.normal(k2, (VOCAB_SIZE, EMB_SIZE), dtype=jnp.float32)
    positional_embedding = jax.random.normal(k3, (1, MAX_LEN + 2, EMB_SIZE), dtype=jnp.float32)
    return {
        "token_sequences": token_sequences,
        "embedding_weight": embedding_weight,
        "positional_embedding": positional_embedding,
    }

def reference(token_sequences, embedding_weight, positional_embedding):
    # string_type == 'adj_flatten' path: plain embedding lookup scaled by sqrt(emb_size)
    x = jnp.take(embedding_weight, token_sequences, axis=0) * math.sqrt(EMB_SIZE)
    # learn_pos == True: add tiled positional embedding
    x_batch_size = x.shape[0]
    x_seq_len = x.shape[1]
    pe = positional_embedding[:, :x_seq_len]
    pe_stack = jnp.tile(pe, (x_batch_size, 1, 1))
    return x + pe_stack

if __name__ == "__main__":
    import jax
    _d = setup_inputs()
    print(jax.jit(kernel)(*tuple(_d.values())))

</pallas_src>

<mosaic_0001>
#map = affine_map<(d0, d1) -> (0, 0, 0)>
#map1 = affine_map<(d0, d1) -> (0, 0)>
module attributes {stable_mosaic.version = 14 : i64} {
  func.func @_emb_kernel(%arg0: i32, %arg1: i32, %arg2: memref<32x256x100xi32, #tpu.memory_space<hbm>>, %arg3: memref<100000x64xf32, #tpu.memory_space<hbm>>, %arg4: memref<202x64xf32, #tpu.memory_space<hbm>>, %arg5: memref<819200x64xf32, #tpu.memory_space<hbm>>, %arg6: memref<2x2x100xi32, #tpu.memory_space<vmem>>, %arg7: memref<2x200x64xf32, #tpu.memory_space<vmem>>, %arg8: memref<2x200x64xf32, #tpu.memory_space<vmem>>, %arg9: memref<200x64xf32, #tpu.memory_space<vmem>>, %arg10: memref<!tpu.dma_semaphore, #tpu.memory_space<semaphore_mem>>, %arg11: memref<!tpu.dma_semaphore, #tpu.memory_space<semaphore_mem>>, %arg12: memref<!tpu.dma_semaphore, #tpu.memory_space<semaphore_mem>>) attributes {dimension_semantics = [#tpu.dimension_semantics<core_parallel>, #tpu.dimension_semantics<subcore_parallel>], iteration_bounds = array<i64: 2, 16>, scalar_prefetch = 0 : i64, scratch_operands = 7 : i64, tpu.core_type = #tpu.core_type<sc_vector_subcore>, window_params = [{transform_indices = #map}, {transform_indices = #map1}, {transform_indices = #map1}, {transform_indices = #map1}]} {
    %mul3A = arith.constant 2 : i32
    %mul3A_0 = arith.muli %arg1, %mul3A : i32
    %add3A = arith.addi %mul3A_0, %arg0 : i32
    %mul3A_1 = arith.constant 25600 : i32
    %mul3A_2 = arith.muli %add3A, %mul3A_1 : i32
    "tpu.region"() ({
      %run_scoped3A_86 = tpu.sem_alloc : memref<!tpu.dma_semaphore, #tpu.memory_space<semaphore_mem>>
      %dma_start3A_87 = arith.constant 0 : i32
      %dma_start3A_88 = arith.constant 0 : i32
      %dma_start3A_89 = tpu.memref_slice %arg4[%dma_start3A_87, %dma_start3A_88] : memref<202x64xf32, #tpu.memory_space<hbm>> -> memref<200x64xf32, #tpu.memory_space<hbm>>
      %dma_start3A_90 = arith.constant 0 : i32
      %dma_start3A_91 = arith.constant 0 : i32
      %dma_start3A_92 = tpu.memref_slice %arg4[%dma_start3A_90, %dma_start3A_91] : memref<202x64xf32, #tpu.memory_space<hbm>> -> memref<200x64xf32, #tpu.memory_space<hbm>>
      tpu.enqueue_dma source(%dma_start3A_92 : memref<200x64xf32, #tpu.memory_space<hbm>>) target(%arg9 : memref<200x64xf32, #tpu.memory_space<vmem>>) target_semaphore(%run_scoped3A_86 : memref<!tpu.dma_semaphore, #tpu.memory_space<semaphore_mem>>)
      %dma_wait3A_93 = arith.constant 0 : i32
      %dma_wait3A_94 = arith.constant 0 : i32
      %dma_wait3A_95 = tpu.memref_slice %arg4[%dma_wait3A_93, %dma_wait3A_94] : memref<202x64xf32, #tpu.memory_space<hbm>> -> memref<200x64xf32, #tpu.memory_space<hbm>>
      %dma_wait3A_96 = arith.constant 0 : i32
      %dma_wait3A_97 = arith.constant 0 : i32
      %dma_wait3A_98 = tpu.memref_slice %arg4[%dma_wait3A_96, %dma_wait3A_97] : memref<202x64xf32, #tpu.memory_space<hbm>> -> memref<200x64xf32, #tpu.memory_space<hbm>>
      tpu.wait_dma2 semaphore(%run_scoped3A_86 : memref<!tpu.dma_semaphore, #tpu.memory_space<semaphore_mem>>) src(%dma_wait3A_98 : memref<200x64xf32, #tpu.memory_space<hbm>>) dst(%arg9 : memref<200x64xf32, #tpu.memory_space<vmem>>)
      tpu.yield
    }) : () -> ()
    %run_scoped3A = arith.constant 0 : i32
    "tpu.region"() ({
      %run_scoped3A_86 = tpu.sem_alloc : memref<!tpu.dma_semaphore, #tpu.memory_space<semaphore_mem>>
      %dma_start3A_87 = arith.constant 0 : i32
      %dma_start3A_88 = arith.constant 0 : i32
      %dma_start3A_89 = tpu.memref_slice %arg6[%run_scoped3A, %dma_start3A_87, %dma_start3A_88] : memref<2x2x100xi32, #tpu.memory_space<vmem>> -> memref<1x2x100xi32, #tpu.memory_space<vmem>>
      %dma_start3A_90 = tpu.memref_squeeze %dma_start3A_89 : memref<1x2x100xi32, #tpu.memory_space<vmem>> -> memref<2x100xi32, #tpu.memory_space<vmem>>
      %dma_start3A_91 = arith.constant 0 : i32
      %dma_start3A_92 = arith.constant 0 : i32
      %dma_start3A_93 = tpu.memref_slice %arg2[%add3A, %dma_start3A_91, %dma_start3A_92] : memref<32x256x100xi32, #tpu.memory_space<hbm>> -> memref<1x2x100xi32, #tpu.memory_space<hbm>>
      %dma_start3A_94 = tpu.memref_squeeze %dma_start3A_93 : memref<1x2x100xi32, #tpu.memory_space<hbm>> -> memref<2x100xi32, #tpu.memory_space<hbm>>
      %dma_start3A_95 = arith.constant 0 : i32
      %dma_start3A_96 = arith.constant 0 : i32
      %dma_start3A_97 = tpu.memref_slice %arg6[%run_scoped3A, %dma_start3A_95, %dma_start3A_96] : memref<2x2x100xi32, #tpu.memory_space<vmem>> -> memref<1x2x100xi32, #tpu.memory_space<vmem>>
      %dma_start3A_98 = tpu.memref_squeeze %dma_start3A_97 : memref<1x2x100xi32, #tpu.memory_space<vmem>> -> memref<2x100xi32, #tpu.memory_space<vmem>>
      %dma_start3A_99 = arith.constant 0 : i32
      %dma_start3A_100 = arith.constant 0 : i32
      %dma_start3A_101 = tpu.memref_slice %arg2[%add3A, %dma_start3A_99, %dma_start3A_100] : memref<32x256x100xi32, #tpu.memory_space<hbm>> -> memref<1x2x100xi32, #tpu.memory_space<hbm>>
      %dma_start3A_102 = tpu.memref_squeeze %dma_start3A_101 : memref<1x2x100xi32, #tpu.memory_space<hbm>> -> memref<2x100xi32, #tpu.memory_space<hbm>>
      tpu.enqueue_dma source(%dma_start3A_102 : memref<2x100xi32, #tpu.memory_space<hbm>>) target(%dma_start3A_98 : memref<2x100xi32, #tpu.memory_space<vmem>>) target_semaphore(%run_scoped3A_86 : memref<!tpu.dma_semaphore, #tpu.memory_space<semaphore_mem>>)
      %dma_wait3A_103 = arith.constant 0 : i32
      %dma_wait3A_104 = arith.constant 0 : i32
      %dma_wait3A_105 = tpu.memref_slice %arg6[%run_scoped3A, %dma_wait3A_103, %dma_wait3A_104] : memref<2x2x100xi32, #tpu.memory_space<vmem>> -> memref<1x2x100xi32, #tpu.memory_space<vmem>>
      %dma_wait3A_106 = tpu.memref_squeeze %dma_wait3A_105 : memref<1x2x100xi32, #tpu.memory_space<vmem>> -> memref<2x100xi32, #tpu.memory_space<vmem>>
      %dma_wait3A_107 = arith.constant 0 : i32
      %dma_wait3A_108 = arith.constant 0 : i32
      %dma_wait3A_109 = tpu.memref_slice %arg2[%add3A, %dma_wait3A_107, %dma_wait3A_108] : memref<32x256x100xi32, #tpu.memory_space<hbm>> -> memref<1x2x100xi32, #tpu.memory_space<hbm>>
      %dma_wait3A_110 = tpu.memref_squeeze %dma_wait3A_109 : memref<1x2x100xi32, #tpu.memory_space<hbm>> -> memref<2x100xi32, #tpu.memory_space<hbm>>
      %dma_wait3A_111 = arith.constant 0 : i32
      %dma_wait3A_112 = arith.constant 0 : i32
      %dma_wait3A_113 = tpu.memref_slice %arg6[%run_scoped3A, %dma_wait3A_111, %dma_wait3A_112] : memref<2x2x100xi32, #tpu.memory_space<vmem>> -> memref<1x2x100xi32, #tpu.memory_space<vmem>>
      %dma_wait3A_114 = tpu.memref_squeeze %dma_wait3A_113 : memref<1x2x100xi32, #tpu.memory_space<vmem>> -> memref<2x100xi32, #tpu.memory_space<vmem>>
      %dma_wait3A_115 = arith.constant 0 : i32
      %dma_wait3A_116 = arith.constant 0 : i32
      %dma_wait3A_117 = tpu.memref_slice %arg2[%add3A, %dma_wait3A_115, %dma_wait3A_116] : memref<32x256x100xi32, #tpu.memory_space<hbm>> -> memref<1x2x100xi32, #tpu.memory_space<hbm>>
      %dma_wait3A_118 = tpu.memref_squeeze %dma_wait3A_117 : memref<1x2x100xi32, #tpu.memory_space<hbm>> -> memref<2x100xi32, #tpu.memory_space<hbm>>
      tpu.wait_dma2 semaphore(%run_scoped3A_86 : memref<!tpu.dma_semaphore, #tpu.memory_space<semaphore_mem>>) src(%dma_wait3A_118 : memref<2x100xi32, #tpu.memory_space<hbm>>) dst(%dma_wait3A_114 : memref<2x100xi32, #tpu.memory_space<vmem>>)
      tpu.yield
    }) : () -> ()
    %dma_start3A = arith.constant 0 : i32
    %dma_start3A_3 = arith.constant 0 : i32
    %dma_start3A_4 = arith.constant 0 : i32
    %dma_start3A_5 = arith.constant 0 : i32
    %dma_start3A_6 = arith.constant 0 : i32
    %dma_start3A_7 = tpu.memref_slice %arg7[%dma_start3A_4, %dma_start3A_5, %dma_start3A_6] : memref<2x200x64xf32, #tpu.memory_space<vmem>> -> memref<1x100x64xf32, #tpu.memory_space<vmem>>
    %dma_start3A_8 = tpu.memref_squeeze %dma_start3A_7 : memref<1x100x64xf32, #tpu.memory_space<vmem>> -> memref<100x64xf32, #tpu.memory_space<vmem>>
    %dma_start3A_9 = arith.constant 0 : i32
    %dma_start3A_10 = tpu.memref_slice %arg6[%dma_start3A, %dma_start3A_3, %dma_start3A_9] : memref<2x2x100xi32, #tpu.memory_space<vmem>> -> memref<1x1x100xi32, #tpu.memory_space<vmem>>
    %dma_start3A_11 = tpu.memref_squeeze %dma_start3A_10 : memref<1x1x100xi32, #tpu.memory_space<vmem>> -> memref<100xi32, #tpu.memory_space<vmem>>
    %dma_start3A_12 = arith.constant 0 : i32
    %dma_start3A_13 = arith.constant 0 : i32
    %dma_start3A_14 = tpu.memref_slice %arg3[%dma_start3A_12, %dma_start3A_13] : memref<100000x64xf32, #tpu.memory_space<hbm>> -> memref<100000x64xf32, #tpu.memory_space<hbm>>
    tpu.enqueue_indirect_dma source(%dma_start3A_14 : memref<100000x64xf32, #tpu.memory_space<hbm>>) target(%dma_start3A_8 : memref<100x64xf32, #tpu.memory_space<vmem>>) offsets(%dma_start3A_11 : memref<100xi32, #tpu.memory_space<vmem>>) semaphore(%arg10 : memref<!tpu.dma_semaphore, #tpu.memory_space<semaphore_mem>>)
    %dma_start3A_15 = arith.constant 0 : i32
    %dma_start3A_16 = arith.constant 1 : i32
    %dma_start3A_17 = arith.constant 0 : i32
    %dma_start3A_18 = arith.constant 100 : i32
    %dma_start3A_19 = arith.constant 0 : i32
    %dma_start3A_20 = tpu.memref_slice %arg7[%dma_start3A_17, %dma_start3A_18, %dma_start3A_19] : memref<2x200x64xf32, #tpu.memory_space<vmem>> -> memref<1x100x64xf32, #tpu.memory_space<vmem>>
    %dma_start3A_21 = tpu.memref_squeeze %dma_start3A_20 : memref<1x100x64xf32, #tpu.memory_space<vmem>> -> memref<100x64xf32, #tpu.memory_space<vmem>>
    %dma_start3A_22 = arith.constant 0 : i32
    %dma_start3A_23 = tpu.memref_slice %arg6[%dma_start3A_15, %dma_start3A_16, %dma_start3A_22] : memref<2x2x100xi32, #tpu.memory_space<vmem>> -> memref<1x1x100xi32, #tpu.memory_space<vmem>>
    %dma_start3A_24 = tpu.memref_squeeze %dma_start3A_23 : memref<1x1x100xi32, #tpu.memory_space<vmem>> -> memref<100xi32, #tpu.memory_space<vmem>>
    %dma_start3A_25 = arith.constant 0 : i32
    %dma_start3A_26 = arith.constant 0 : i32
    %dma_start3A_27 = tpu.memref_slice %arg3[%dma_start3A_25, %dma_start3A_26] : memref<100000x64xf32, #tpu.memory_space<hbm>> -> memref<100000x64xf32, #tpu.memory_space<hbm>>
    tpu.enqueue_indirect_dma source(%dma_start3A_27 : memref<100000x64xf32, #tpu.memory_space<hbm>>) target(%dma_start3A_21 : memref<100x64xf32, #tpu.memory_space<vmem>>) offsets(%dma_start3A_24 : memref<100xi32, #tpu.memory_space<vmem>>) semaphore(%arg10 : memref<!tpu.dma_semaphore, #tpu.memory_space<semaphore_mem>>)
    %run_scoped3A_28 = arith.constant 1 : i32
    "tpu.region"() ({
      %run_scoped3A_86 = tpu.sem_alloc : memref<!tpu.dma_semaphore, #tpu.memory_space<semaphore_mem>>
      %dma_start3A_87 = arith.constant 0 : i32
      %dma_start3A_88 = arith.constant 0 : i32
      %dma_start3A_89 = tpu.memref_slice %arg6[%run_scoped3A_28, %dma_start3A_87, %dma_start3A_88] : memref<2x2x100xi32, #tpu.memory_space<vmem>> -> memref<1x2x100xi32, #tpu.memory_space<vmem>>
      %dma_start3A_90 = tpu.memref_squeeze %dma_start3A_89 : memref<1x2x100xi32, #tpu.memory_space<vmem>> -> memref<2x100xi32, #tpu.memory_space<vmem>>
      %dma_start3A_91 = arith.constant 2 : i32
      %dma_start3A_92 = arith.constant 0 : i32
      %dma_start3A_93 = tpu.memref_slice %arg2[%add3A, %dma_start3A_91, %dma_start3A_92] : memref<32x256x100xi32, #tpu.memory_space<hbm>> -> memref<1x2x100xi32, #tpu.memory_space<hbm>>
      %dma_start3A_94 = tpu.memref_squeeze %dma_start3A_93 : memref<1x2x100xi32, #tpu.memory_space<hbm>> -> memref<2x100xi32, #tpu.memory_space<hbm>>
      %dma_start3A_95 = arith.constant 0 : i32
      %dma_start3A_96 = arith.constant 0 : i32
      %dma_start3A_97 = tpu.memref_slice %arg6[%run_scoped3A_28, %dma_start3A_95, %dma_start3A_96] : memref<2x2x100xi32, #tpu.memory_space<vmem>> -> memref<1x2x100xi32, #tpu.memory_space<vmem>>
      %dma_start3A_98 = tpu.memref_squeeze %dma_start3A_97 : memref<1x2x100xi32, #tpu.memory_space<vmem>> -> memref<2x100xi32, #tpu.memory_space<vmem>>
      %dma_start3A_99 = arith.constant 2 : i32
      %dma_start3A_100 = arith.constant 0 : i32
      %dma_start3A_101 = tpu.memref_slice %arg2[%add3A, %dma_start3A_99, %dma_start3A_100] : memref<32x256x100xi32, #tpu.memory_space<hbm>> -> memref<1x2x100xi32, #tpu.memory_space<hbm>>
      %dma_start3A_102 = tpu.memref_squeeze %dma_start3A_101 : memref<1x2x100xi32, #tpu.memory_space<hbm>> -> memref<2x100xi32, #tpu.memory_space<hbm>>
      tpu.enqueue_dma source(%dma_start3A_102 : memref<2x100xi32, #tpu.memory_space<hbm>>) target(%dma_start3A_98 : memref<2x100xi32, #tpu.memory_space<vmem>>) target_semaphore(%run_scoped3A_86 : memref<!tpu.dma_semaphore, #tpu.memory_space<semaphore_mem>>)
      %dma_wait3A_103 = arith.constant 0 : i32
      %dma_wait3A_104 = arith.constant 0 : i32
      %dma_wait3A_105 = tpu.memref_slice %arg6[%run_scoped3A_28, %dma_wait3A_103, %dma_wait3A_104] : memref<2x2x100xi32, #tpu.memory_space<vmem>> -> memref<1x2x100xi32, #tpu.memory_space<vmem>>
      %dma_wait3A_106 = tpu.memref_squeeze %dma_wait3A_105 : memref<1x2x100xi32, #tpu.memory_space<vmem>> -> memref<2x100xi32, #tpu.memory_space<vmem>>
      %dma_wait3A_107 = arith.constant 2 : i32
      %dma_wait3A_108 = arith.constant 0 : i32
      %dma_wait3A_109 = tpu.memref_slice %arg2[%add3A, %dma_wait3A_107, %dma_wait3A_108] : memref<32x256x100xi32, #tpu.memory_space<hbm>> -> memref<1x2x100xi32, #tpu.memory_space<hbm>>
      %dma_wait3A_110 = tpu.memref_squeeze %dma_wait3A_109 : memref<1x2x100xi32, #tpu.memory_space<hbm>> -> memref<2x100xi32, #tpu.memory_space<hbm>>
      %dma_wait3A_111 = arith.constant 0 : i32
      %dma_wait3A_112 = arith.constant 0 : i32
      %dma_wait3A_113 = tpu.memref_slice %arg6[%run_scoped3A_28, %dma_wait3A_111, %dma_wait3A_112] : memref<2x2x100xi32, #tpu.memory_space<vmem>> -> memref<1x2x100xi32, #tpu.memory_space<vmem>>
      %dma_wait3A_114 = tpu.memref_squeeze %dma_wait3A_113 : memref<1x2x100xi32, #tpu.memory_space<vmem>> -> memref<2x100xi32, #tpu.memory_space<vmem>>
      %dma_wait3A_115 = arith.constant 2 : i32
      %dma_wait3A_116 = arith.constant 0 : i32
      %dma_wait3A_117 = tpu.memref_slice %arg2[%add3A, %dma_wait3A_115, %dma_wait3A_116] : memref<32x256x100xi32, #tpu.memory_space<hbm>> -> memref<1x2x100xi32, #tpu.memory_space<hbm>>
      %dma_wait3A_118 = tpu.memref_squeeze %dma_wait3A_117 : memref<1x2x100xi32, #tpu.memory_space<hbm>> -> memref<2x100xi32, #tpu.memory_space<hbm>>
      tpu.wait_dma2 semaphore(%run_scoped3A_86 : memref<!tpu.dma_semaphore, #tpu.memory_space<semaphore_mem>>) src(%dma_wait3A_118 : memref<2x100xi32, #tpu.memory_space<hbm>>) dst(%dma_wait3A_114 : memref<2x100xi32, #tpu.memory_space<vmem>>)
      tpu.yield
    }) : () -> ()
    %dma_start3A_29 = arith.constant 1 : i32
    %dma_start3A_30 = arith.constant 0 : i32
    %dma_start3A_31 = arith.constant 1 : i32
    %dma_start3A_32 = arith.constant 0 : i32
    %dma_start3A_33 = arith.constant 0 : i32
    %dma_start3A_34 = tpu.memref_slice %arg7[%dma_start3A_31, %dma_start3A_32, %dma_start3A_33] : memref<2x200x64xf32, #tpu.memory_space<vmem>> -> memref<1x100x64xf32, #tpu.memory_space<vmem>>
    %dma_start3A_35 = tpu.memref_squeeze %dma_start3A_34 : memref<1x100x64xf32, #tpu.memory_space<vmem>> -> memref<100x64xf32, #tpu.memory_space<vmem>>
    %dma_start3A_36 = arith.constant 0 : i32
    %dma_start3A_37 = tpu.memref_slice %arg6[%dma_start3A_29, %dma_start3A_30, %dma_start3A_36] : memref<2x2x100xi32, #tpu.memory_space<vmem>> -> memref<1x1x100xi32, #tpu.memory_space<vmem>>
    %dma_start3A_38 = tpu.memref_squeeze %dma_start3A_37 : memref<1x1x100xi32, #tpu.memory_space<vmem>> -> memref<100xi32, #tpu.memory_space<vmem>>
    %dma_start3A_39 = arith.constant 0 : i32
    %dma_start3A_40 = arith.constant 0 : i32
    %dma_start3A_41 = tpu.memref_slice %arg3[%dma_start3A_39, %dma_start3A_40] : memref<100000x64xf32, #tpu.memory_space<hbm>> -> memref<100000x64xf32, #tpu.memory_space<hbm>>
    tpu.enqueue_indirect_dma source(%dma_start3A_41 : memref<100000x64xf32, #tpu.memory_space<hbm>>) target(%dma_start3A_35 : memref<100x64xf32, #tpu.memory_space<vmem>>) offsets(%dma_start3A_38 : memref<100xi32, #tpu.memory_space<vmem>>) semaphore(%arg10 : memref<!tpu.dma_semaphore, #tpu.memory_space<semaphore_mem>>)
    %dma_start3A_42 = arith.constant 1 : i32
    %dma_start3A_43 = arith.constant 1 : i32
    %dma_start3A_44 = arith.constant 1 : i32
    %dma_start3A_45 = arith.constant 100 : i32
    %dma_start3A_46 = arith.constant 0 : i32
    %dma_start3A_47 = tpu.memref_slice %arg7[%dma_start3A_44, %dma_start3A_45, %dma_start3A_46] : memref<2x200x64xf32, #tpu.memory_space<vmem>> -> memref<1x100x64xf32, #tpu.memory_space<vmem>>
    %dma_start3A_48 = tpu.memref_squeeze %dma_start3A_47 : memref<1x100x64xf32, #tpu.memory_space<vmem>> -> memref<100x64xf32, #tpu.memory_space<vmem>>
    %dma_start3A_49 = arith.constant 0 : i32
    %dma_start3A_50 = tpu.memref_slice %arg6[%dma_start3A_42, %dma_start3A_43, %dma_start3A_49] : memref<2x2x100xi32, #tpu.memory_space<vmem>> -> memref<1x1x100xi32, #tpu.memory_space<vmem>>
    %dma_start3A_51 = tpu.memref_squeeze %dma_start3A_50 : memref<1x1x100xi32, #tpu.memory_space<vmem>> -> memref<100xi32, #tpu.memory_space<vmem>>
    %dma_start3A_52 = arith.constant 0 : i32
    %dma_start3A_53 = arith.constant 0 : i32
    %dma_start3A_54 = tpu.memref_slice %arg3[%dma_start3A_52, %dma_start3A_53] : memref<100000x64xf32, #tpu.memory_space<hbm>> -> memref<100000x64xf32, #tpu.memory_space<hbm>>
    tpu.enqueue_indirect_dma source(%dma_start3A_54 : memref<100000x64xf32, #tpu.memory_space<hbm>>) target(%dma_start3A_48 : memref<100x64xf32, #tpu.memory_space<vmem>>) offsets(%dma_start3A_51 : memref<100xi32, #tpu.memory_space<vmem>>) semaphore(%arg10 : memref<!tpu.dma_semaphore, #tpu.memory_space<semaphore_mem>>)
    %scan3A = arith.constant 0 : i32
    %scan3A_55 = arith.constant 0 : i32
    %scan3A_56 = arith.constant 64 : i32
    %scan3A_57 = arith.addi %scan3A_55, %scan3A_56 : i32
    %scan3A_58 = arith.constant 1 : i32
    %scan3A_59 = scf.for %scan3A_86 = %scan3A_55 to %scan3A_57 step %scan3A_58 iter_args(%scan3A_87 = %scan3A) -> (i32)  : i32 {
      %mul3A_88 = arith.constant 2 : i32
      %mul3A_89 = arith.muli %scan3A_86, %mul3A_88 : i32
      %add3A_90 = arith.constant 0 : i32
      %add3A_91 = arith.addi %mul3A_89, %add3A_90 : i32
      %dma_wait3A_92 = arith.constant 0 : i32
      %dma_wait3A_93 = arith.constant 0 : i32
      %dma_wait3A_94 = arith.constant 0 : i32
      %dma_wait3A_95 = tpu.memref_slice %arg7[%dma_wait3A_92, %dma_wait3A_93, %dma_wait3A_94] : memref<2x200x64xf32, #tpu.memory_space<vmem>> -> memref<1x200x64xf32, #tpu.memory_space<vmem>>
      %dma_wait3A_96 = tpu.memref_squeeze %dma_wait3A_95 : memref<1x200x64xf32, #tpu.memory_space<vmem>> -> memref<200x64xf32, #tpu.memory_space<vmem>>
      %dma_wait3A_97 = arith.constant 0 : i32
      %dma_wait3A_98 = arith.constant 0 : i32
      %dma_wait3A_99 = tpu.memref_slice %arg3[%dma_wait3A_97, %dma_wait3A_98] : memref<100000x64xf32, #tpu.memory_space<hbm>> -> memref<200x64xf32, #tpu.memory_space<hbm>>
      %dma_wait3A_100 = arith.constant 0 : i32
      %dma_wait3A_101 = arith.constant 0 : i32
      %dma_wait3A_102 = tpu.memref_slice %arg7[%dma_wait3A_92, %dma_wait3A_100, %dma_wait3A_101] : memref<2x200x64xf32, #tpu.memory_space<vmem>> -> memref<1x200x64xf32, #tpu.memory_space<vmem>>
      %dma_wait3A_103 = tpu.memref_squeeze %dma_wait3A_102 : memref<1x200x64xf32, #tpu.memory_space<vmem>> -> memref<200x64xf32, #tpu.memory_space<vmem>>
      %dma_wait3A_104 = arith.constant 0 : i32
      %dma_wait3A_105 = arith.constant 0 : i32
      %dma_wait3A_106 = tpu.memref_slice %arg3[%dma_wait3A_104, %dma_wait3A_105] : memref<100000x64xf32, #tpu.memory_space<hbm>> -> memref<200x64xf32, #tpu.memory_space<hbm>>
      tpu.wait_dma2 semaphore(%arg10 : memref<!tpu.dma_semaphore, #tpu.memory_space<semaphore_mem>>) src(%dma_wait3A_106 : memref<200x64xf32, #tpu.memory_space<hbm>>) dst(%dma_wait3A_103 : memref<200x64xf32, #tpu.memory_space<vmem>>)
      %add3A_107 = arith.constant 2 : i32
      %add3A_108 = arith.addi %add3A_91, %add3A_107 : i32
      %lt3A = arith.constant 128 : i32
      %lt3A_109 = arith.cmpi slt, %add3A_108, %lt3A : i32
      %convert_element_type3A = arith.extui %lt3A_109 : i1 to i32
      %cond3A = arith.constant 0 : i32
      %cond3A_110 = arith.cmpi ne, %convert_element_type3A, %cond3A : i32
      scf.if %cond3A_110 {
        %add3A_211 = arith.constant 2 : i32
        %add3A_212 = arith.addi %add3A_91, %add3A_211 : i32
        %mul3A_213 = arith.constant 2 : i32
        %mul3A_214 = arith.muli %add3A_212, %mul3A_213 : i32
        %dma_start3A_215 = arith.constant 0 : i32
        %dma_start3A_216 = arith.constant 0 : i32
        %dma_start3A_217 = arith.constant 0 : i32
        %dma_start3A_218 = tpu.memref_slice %arg6[%dma_start3A_215, %dma_start3A_216, %dma_start3A_217] : memref<2x2x100xi32, #tpu.memory_space<vmem>> -> memref<1x2x100xi32, #tpu.memory_space<vmem>>
        %dma_start3A_219 = tpu.memref_squeeze %dma_start3A_218 : memref<1x2x100xi32, #tpu.memory_space<vmem>> -> memref<2x100xi32, #tpu.memory_space<vmem>>
        %dma_start3A_220 = arith.constant 0 : i32
        %dma_start3A_221 = tpu.memref_slice %arg2[%add3A, %mul3A_214, %dma_start3A_220] : memref<32x256x100xi32, #tpu.memory_space<hbm>> -> memref<1x2x100xi32, #tpu.memory_space<hbm>>
        %dma_start3A_222 = tpu.memref_squeeze %dma_start3A_221 : memref<1x2x100xi32, #tpu.memory_space<hbm>> -> memref<2x100xi32, #tpu.memory_space<hbm>>
        %dma_start3A_223 = arith.constant 0 : i32
        %dma_start3A_224 = arith.constant 0 : i32
        %dma_start3A_225 = tpu.memref_slice %arg6[%dma_start3A_215, %dma_start3A_223, %dma_start3A_224] : memref<2x2x100xi32, #tpu.memory_space<vmem>> -> memref<1x2x100xi32, #tpu.memory_space<vmem>>
        %dma_start3A_226 = tpu.memref_squeeze %dma_start3A_225 : memref<1x2x100xi32, #tpu.memory_space<vmem>> -> memref<2x100xi32, #tpu.memory_space<vmem>>
        %dma_start3A_227 = arith.constant 0 : i32
        %dma_start3A_228 = tpu.memref_slice %arg2[%add3A, %mul3A_214, %dma_start3A_227] : memref<32x256x100xi32, #tpu.memory_space<hbm>> -> memref<1x2x100xi32, #tpu.memory_space<hbm>>
        %dma_start3A_229 = tpu.memref_squeeze %dma_start3A_228 : memref<1x2x100xi32, #tpu.memory_space<hbm>> -> memref<2x100xi32, #tpu.memory_space<hbm>>
        tpu.enqueue_dma source(%dma_start3A_229 : memref<2x100xi32, #tpu.memory_space<hbm>>) target(%dma_start3A_226 : memref<2x100xi32, #tpu.memory_space<vmem>>) target_semaphore(%arg12 : memref<!tpu.dma_semaphore, #tpu.memory_space<semaphore_mem>>)
      } else {
      }
      %ge3A = arith.constant 2 : i32
      %ge3A_111 = arith.cmpi sge, %add3A_91, %ge3A : i32
      %convert_element_type3A_112 = arith.extui %ge3A_111 : i1 to i32
      %cond3A_113 = arith.constant 0 : i32
      %cond3A_114 = arith.cmpi ne, %convert_element_type3A_112, %cond3A_113 : i32
      scf.if %cond3A_114 {
        %dma_wait3A_211 = arith.constant 0 : i32
        %dma_wait3A_212 = arith.constant 0 : i32
        %dma_wait3A_213 = arith.constant 0 : i32
        %dma_wait3A_214 = tpu.memref_slice %arg8[%dma_wait3A_211, %dma_wait3A_212, %dma_wait3A_213] : memref<2x200x64xf32, #tpu.memory_space<vmem>> -> memref<1x200x64xf32, #tpu.memory_space<vmem>>
        %dma_wait3A_215 = tpu.memref_squeeze %dma_wait3A_214 : memref<1x200x64xf32, #tpu.memory_space<vmem>> -> memref<200x64xf32, #tpu.memory_space<vmem>>
        %dma_wait3A_216 = arith.constant 0 : i32
        %dma_wait3A_217 = tpu.memref_slice %arg5[%mul3A_2, %dma_wait3A_216] : memref<819200x64xf32, #tpu.memory_space<hbm>> -> memref<200x64xf32, #tpu.memory_space<hbm>>
        %dma_wait3A_218 = arith.constant 0 : i32
        %dma_wait3A_219 = tpu.memref_slice %arg5[%mul3A_2, %dma_wait3A_218] : memref<819200x64xf32, #tpu.memory_space<hbm>> -> memref<200x64xf32, #tpu.memory_space<hbm>>
        %dma_wait3A_220 = arith.constant 0 : i32
        %dma_wait3A_221 = arith.constant 0 : i32
        %dma_wait3A_222 = tpu.memref_slice %arg8[%dma_wait3A_211, %dma_wait3A_220, %dma_wait3A_221] : memref<2x200x64xf32, #tpu.memory_space<vmem>> -> memref<1x200x64xf32, #tpu.memory_space<vmem>>
        %dma_wait3A_223 = tpu.memref_squeeze %dma_wait3A_222 : memref<1x200x64xf32, #tpu.memory_space<vmem>> -> memref<200x64xf32, #tpu.memory_space<vmem>>
        tpu.wait_dma2 semaphore(%arg11 : memref<!tpu.dma_semaphore, #tpu.memory_space<semaphore_mem>>) src(%dma_wait3A_223 : memref<200x64xf32, #tpu.memory_space<vmem>>) dst(%dma_wait3A_219 : memref<200x64xf32, #tpu.memory_space<hbm>>)
      } else {
      }
      %scan3A_115 = arith.constant 0 : i32
      %scan3A_116 = arith.constant 0 : i32
      %scan3A_117 = arith.constant 0 : i32
      %scan3A_118 = arith.constant 0 : i32
      %scan3A_119 = arith.constant 200 : i32
      %scan3A_120 = arith.addi %scan3A_118, %scan3A_119 : i32
      %scan3A_121 = arith.constant 1 : i32
      %scan3A_122 = scf.for %scan3A_211 = %scan3A_118 to %scan3A_120 step %scan3A_121 iter_args(%scan3A_212 = %scan3A_117) -> (i32)  : i32 {
        %get3A = arith.constant 0 : i32
        %get3A_213 = arith.constant 0 : i32
        %get3A_214 = tpu.memref_slice %arg7[%scan3A_115, %get3A, %get3A_213] : memref<2x200x64xf32, #tpu.memory_space<vmem>> -> memref<1x200x64xf32, #tpu.memory_space<vmem>>
        %get3A_215 = tpu.memref_squeeze %get3A_214 : memref<1x200x64xf32, #tpu.memory_space<vmem>> -> memref<200x64xf32, #tpu.memory_space<vmem>>
        %get3A_216 = arith.index_cast %scan3A_211 : i32 to index
        %get3A_217 = arith.constant 0 : index
        %get3A_218 = tpu.vector_load %get3A_215[%get3A_216, %get3A_217] {strides = array<i32>} : memref<200x64xf32, #tpu.memory_space<vmem>>, vector<1x16xf32>,
        %get3A_219 = vector.shape_cast %get3A_218 : vector<1x16xf32> to vector<16xf32>
        %mul3A_220 = arith.constant 8.000000e+00 : f32
        %mul3A_221 = vector.broadcast %mul3A_220 : f32 to vector<16xf32>
        %mul3A_222 = arith.mulf %get3A_219, %mul3A_221 : vector<16xf32>
        %get3A_223 = arith.index_cast %scan3A_211 : i32 to index
        %get3A_224 = arith.constant 0 : index
        %get3A_225 = tpu.vector_load %arg9[%get3A_223, %get3A_224] {strides = array<i32>} : memref<200x64xf32, #tpu.memory_space<vmem>>, vector<1x16xf32>,
        %get3A_226 = vector.shape_cast %get3A_225 : vector<1x16xf32> to vector<16xf32>
        %add3A_227 = arith.addf %mul3A_222, %get3A_226 : vector<16xf32>
        %swap3A = arith.constant 0 : i32
        %swap3A_228 = arith.constant 0 : i32
        %swap3A_229 = tpu.memref_slice %arg8[%scan3A_116, %swap3A, %swap3A_228] : memref<2x200x64xf32, #tpu.memory_space<vmem>> -> memref<1x200x64xf32, #tpu.memory_space<vmem>>
        %swap3A_230 = tpu.memref_squeeze %swap3A_229 : memref<1x200x64xf32, #tpu.memory_space<vmem>> -> memref<200x64xf32, #tpu.memory_space<vmem>>
        %swap3A_231 = arith.index_cast %scan3A_211 : i32 to index
        %swap3A_232 = arith.constant 0 : index
        %swap3A_233 = tpu.vector_load %swap3A_230[%swap3A_231, %swap3A_232] {strides = array<i32>} : memref<200x64xf32, #tpu.memory_space<vmem>>, vector<1x16xf32>,
        %swap3A_234 = vector.shape_cast %swap3A_233 : vector<1x16xf32> to vector<16xf32>
        %swap3A_235 = vector.shape_cast %add3A_227 : vector<16xf32> to vector<1x16xf32>
        tpu.vector_store %swap3A_230[%swap3A_231, %swap3A_232], %swap3A_235 {strides = array<i32>} : memref<200x64xf32, #tpu.memory_space<vmem>>, vector<1x16xf32>,
        %get3A_236 = arith.constant 0 : i32
        %get3A_237 = arith.constant 0 : i32
        %get3A_238 = tpu.memref_slice %arg7[%scan3A_115, %get3A_236, %get3A_237] : memref<2x200x64xf32, #tpu.memory_space<vmem>> -> memref<1x200x64xf32, #tpu.memory_space<vmem>>
        %get3A_239 = tpu.memref_squeeze %get3A_238 : memref<1x200x64xf32, #tpu.memory_space<vmem>> -> memref<200x64xf32, #tpu.memory_space<vmem>>
        %get3A_240 = arith.index_cast %scan3A_211 : i32 to index
        %get3A_241 = arith.constant 16 : index
        %get3A_242 = tpu.vector_load %get3A_239[%get3A_240, %get3A_241] {strides = array<i32>} : memref<200x64xf32, #tpu.memory_space<vmem>>, vector<1x16xf32>,
        %get3A_243 = vector.shape_cast %get3A_242 : vector<1x16xf32> to vector<16xf32>
        %mul3A_244 = arith.constant 8.000000e+00 : f32
        %mul3A_245 = vector.broadcast %mul3A_244 : f32 to vector<16xf32>
        %mul3A_246 = arith.mulf %get3A_243, %mul3A_245 : vector<16xf32>
        %get3A_247 = arith.index_cast %scan3A_211 : i32 to index
        %get3A_248 = arith.constant 16 : index
        %get3A_249 = tpu.vector_load %arg9[%get3A_247, %get3A_248] {strides = array<i32>} : memref<200x64xf32, #tpu.memory_space<vmem>>, vector<1x16xf32>,
        %get3A_250 = vector.shape_cast %get3A_249 : vector<1x16xf32> to vector<16xf32>
        %add3A_251 = arith.addf %mul3A_246, %get3A_250 : vector<16xf32>
        %swap3A_252 = arith.constant 0 : i32
        %swap3A_253 = arith.constant 0 : i32
        %swap3A_254 = tpu.memref_slice %arg8[%scan3A_116, %swap3A_252, %swap3A_253] : memref<2x200x64xf32, #tpu.memory_space<vmem>> -> memref<1x200x64xf32, #tpu.memory_space<vmem>>
        %swap3A_255 = tpu.memref_squeeze %swap3A_254 : memref<1x200x64xf32, #tpu.memory_space<vmem>> -> memref<200x64xf32, #tpu.memory_space<vmem>>
        %swap3A_256 = arith.index_cast %scan3A_211 : i32 to index
        %swap3A_257 = arith.constant 16 : index
        %swap3A_258 = tpu.vector_load %swap3A_255[%swap3A_256, %swap3A_257] {strides = array<i32>} : memref<200x64xf32, #tpu.memory_space<vmem>>, vector<1x16xf32>,
        %swap3A_259 = vector.shape_cast %swap3A_258 : vector<1x16xf32> to vector<16xf32>
        %swap3A_260 = vector.shape_cast %add3A_251 : vector<16xf32> to vector<1x16xf32>
        tpu.vector_store %swap3A_255[%swap3A_256, %swap3A_257], %swap3A_260 {strides = array<i32>} : memref<200x64xf32, #tpu.memory_space<vmem>>, vector<1x16xf32>,
        %get3A_261 = arith.constant 0 : i32
        %get3A_262 = arith.constant 0 : i32
        %get3A_263 = tpu.memref_slice %arg7[%scan3A_115, %get3A_261, %get3A_262] : memref<2x200x64xf32, #tpu.memory_space<vmem>> -> memref<1x200x64xf32, #tpu.memory_space<vmem>>
        %get3A_264 = tpu.memref_squeeze %get3A_263 : memref<1x200x64xf32, #tpu.memory_space<vmem>> -> memref<200x64xf32, #tpu.memory_space<vmem>>
        %get3A_265 = arith.index_cast %scan3A_211 : i32 to index
        %get3A_266 = arith.constant 32 : index
        %get3A_267 = tpu.vector_load %get3A_264[%get3A_265, %get3A_266] {strides = array<i32>} : memref<200x64xf32, #tpu.memory_space<vmem>>, vector<1x16xf32>,
        %get3A_268 = vector.shape_cast %get3A_267 : vector<1x16xf32> to vector<16xf32>
        %mul3A_269 = arith.constant 8.000000e+00 : f32
        %mul3A_270 = vector.broadcast %mul3A_269 : f32 to vector<16xf32>
        %mul3A_271 = arith.mulf %get3A_268, %mul3A_270 : vector<16xf32>
        %get3A_272 = arith.index_cast %scan3A_211 : i32 to index
        %get3A_273 = arith.constant 32 : index
        %get3A_274 = tpu.vector_load %arg9[%get3A_272, %get3A_273] {strides = array<i32>} : memref<200x64xf32, #tpu.memory_space<vmem>>, vector<1x16xf32>,
        %get3A_275 = vector.shape_cast %get3A_274 : vector<1x16xf32> to vector<16xf32>
        %add3A_276 = arith.addf %mul3A_271, %get3A_275 : vector<16xf32>
        %swap3A_277 = arith.constant 0 : i32
        %swap3A_278 = arith.constant 0 : i32
        %swap3A_279 = tpu.memref_slice %arg8[%scan3A_116, %swap3A_277, %swap3A_278] : memref<2x200x64xf32, #tpu.memory_space<vmem>> -> memref<1x200x64xf32, #tpu.memory_space<vmem>>
        %swap3A_280 = tpu.memref_squeeze %swap3A_279 : memref<1x200x64xf32, #tpu.memory_space<vmem>> -> memref<200x64xf32, #tpu.memory_space<vmem>>
        %swap3A_281 = arith.index_cast %scan3A_211 : i32 to index
        %swap3A_282 = arith.constant 32 : index
        %swap3A_283 = tpu.vector_load %swap3A_280[%swap3A_281, %swap3A_282] {strides = array<i32>} : memref<200x64xf32, #tpu.memory_space<vmem>>, vector<1x16xf32>,
        %swap3A_284 = vector.shape_cast %swap3A_283 : vector<1x16xf32> to vector<16xf32>
        %swap3A_285 = vector.shape_cast %add3A_276 : vector<16xf32> to vector<1x16xf32>
        tpu.vector_store %swap3A_280[%swap3A_281, %swap3A_282], %swap3A_285 {strides = array<i32>} : memref<200x64xf32, #tpu.memory_space<vmem>>, vector<1x16xf32>,
        %get3A_286 = arith.constant 0 : i32
        %get3A_287 = arith.constant 0 : i32
        %get3A_288 = tpu.memref_slice %arg7[%scan3A_115, %get3A_286, %get3A_287] : memref<2x200x64xf32, #tpu.memory_space<vmem>> -> memref<1x200x64xf32, #tpu.memory_space<vmem>>
        %get3A_289 = tpu.memref_squeeze %get3A_288 : memref<1x200x64xf32, #tpu.memory_space<vmem>> -> memref<200x64xf32, #tpu.memory_space<vmem>>
        %get3A_290 = arith.index_cast %scan3A_211 : i32 to index
        %get3A_291 = arith.constant 48 : index
        %get3A_292 = tpu.vector_load %get3A_289[%get3A_290, %get3A_291] {strides = array<i32>} : memref<200x64xf32, #tpu.memory_space<vmem>>, vector<1x16xf32>,
        %get3A_293 = vector.shape_cast %get3A_292 : vector<1x16xf32> to vector<16xf32>
        %mul3A_294 = arith.constant 8.000000e+00 : f32
        %mul3A_295 = vector.broadcast %mul3A_294 : f32 to vector<16xf32>
        %mul3A_296 = arith.mulf %get3A_293, %mul3A_295 : vector<16xf32>
        %get3A_297 = arith.index_cast %scan3A_211 : i32 to index
        %get3A_298 = arith.constant 48 : index
        %get3A_299 = tpu.vector_load %arg9[%get3A_297, %get3A_298] {strides = array<i32>} : memref<200x64xf32, #tpu.memory_space<vmem>>, vector<1x16xf32>,
        %get3A_300 = vector.shape_cast %get3A_299 : vector<1x16xf32> to vector<16xf32>
        %add3A_301 = arith.addf %mul3A_296, %get3A_300 : vector<16xf32>
        %swap3A_302 = arith.constant 0 : i32
        %swap3A_303 = arith.constant 0 : i32
        %swap3A_304 = tpu.memref_slice %arg8[%scan3A_116, %swap3A_302, %swap3A_303] : memref<2x200x64xf32, #tpu.memory_space<vmem>> -> memref<1x200x64xf32, #tpu.memory_space<vmem>>
        %swap3A_305 = tpu.memref_squeeze %swap3A_304 : memref<1x200x64xf32, #tpu.memory_space<vmem>> -> memref<200x64xf32, #tpu.memory_space<vmem>>
        %swap3A_306 = arith.index_cast %scan3A_211 : i32 to index
        %swap3A_307 = arith.constant 48 : index
        %swap3A_308 = tpu.vector_load %swap3A_305[%swap3A_306, %swap3A_307] {strides = array<i32>} : memref<200x64xf32, #tpu.memory_space<vmem>>, vector<1x16xf32>,
        %swap3A_309 = vector.shape_cast %swap3A_308 : vector<1x16xf32> to vector<16xf32>
        %swap3A_310 = vector.shape_cast %add3A_301 : vector<16xf32> to vector<1x16xf32>
        tpu.vector_store %swap3A_305[%swap3A_306, %swap3A_307], %swap3A_310 {strides = array<i32>} : memref<200x64xf32, #tpu.memory_space<vmem>>, vector<1x16xf32>,
        %scan3A_311 = arith.constant 0 : i32
        scf.yield %scan3A_311 : i32
      }
      %scan3A_123 = arith.constant 200 : i32
      %mul3A_124 = arith.constant 200 : i32
      %mul3A_125 = arith.muli %add3A_91, %mul3A_124 : i32
      %add3A_126 = arith.addi %mul3A_2, %mul3A_125 : i32
      %dma_start3A_127 = arith.constant 0 : i32
      %dma_start3A_128 = arith.constant 0 : i32
      %dma_start3A_129 = arith.constant 0 : i32
      %dma_start3A_130 = tpu.memref_slice %arg8[%dma_start3A_127, %dma_start3A_128, %dma_start3A_129] : memref<2x200x64xf32, #tpu.memory_space<vmem>> -> memref<1x200x64xf32, #tpu.memory_space<vmem>>
      %dma_start3A_131 = tpu.memref_squeeze %dma_start3A_130 : memref<1x200x64xf32, #tpu.memory_space<vmem>> -> memref<200x64xf32, #tpu.memory_space<vmem>>
      %dma_start3A_132 = arith.constant 0 : i32
      %dma_start3A_133 = tpu.memref_slice %arg5[%add3A_126, %dma_start3A_132] : memref<819200x64xf32, #tpu.memory_space<hbm>> -> memref<200x64xf32, #tpu.memory_space<hbm>>
      %dma_start3A_134 = arith.constant 0 : i32
      %dma_start3A_135 = tpu.memref_slice %arg5[%add3A_126, %dma_start3A_134] : memref<819200x64xf32, #tpu.memory_space<hbm>> -> memref<200x64xf32, #tpu.memory_space<hbm>>
      %dma_start3A_136 = arith.constant 0 : i32
      %dma_start3A_137 = arith.constant 0 : i32
      %dma_start3A_138 = tpu.memref_slice %arg8[%dma_start3A_127, %dma_start3A_136, %dma_start3A_137] : memref<2x200x64xf32, #tpu.memory_space<vmem>> -> memref<1x200x64xf32, #tpu.memory_space<vmem>>
      %dma_start3A_139 = tpu.memref_squeeze %dma_start3A_138 : memref<1x200x64xf32, #tpu.memory_space<vmem>> -> memref<200x64xf32, #tpu.memory_space<vmem>>
      tpu.enqueue_dma source(%dma_start3A_139 : memref<200x64xf32, #tpu.memory_space<vmem>>) target(%dma_start3A_135 : memref<200x64xf32, #tpu.memory_space<hbm>>) target_semaphore(%arg11 : memref<!tpu.dma_semaphore, #tpu.memory_space<semaphore_mem>>)
      %add3A_140 = arith.constant 2 : i32
      %add3A_141 = arith.addi %add3A_91, %add3A_140 : i32
      %lt3A_142 = arith.constant 128 : i32
      %lt3A_143 = arith.cmpi slt, %add3A_141, %lt3A_142 : i32
      %convert_element_type3A_144 = arith.extui %lt3A_143 : i1 to i32
      %cond3A_145 = arith.constant 0 : i32
      %cond3A_146 = arith.cmpi ne, %convert_element_type3A_144, %cond3A_145 : i32
      scf.if %cond3A_146 {
        %dma_wait3A_211 = arith.constant 0 : i32
        %dma_wait3A_212 = arith.constant 0 : i32
        %dma_wait3A_213 = arith.constant 0 : i32
        %dma_wait3A_214 = tpu.memref_slice %arg6[%dma_wait3A_211, %dma_wait3A_212, %dma_wait3A_213] : memref<2x2x100xi32, #tpu.memory_space<vmem>> -> memref<1x2x100xi32, #tpu.memory_space<vmem>>
        %dma_wait3A_215 = tpu.memref_squeeze %dma_wait3A_214 : memref<1x2x100xi32, #tpu.memory_space<vmem>> -> memref<2x100xi32, #tpu.memory_space<vmem>>
        %dma_wait3A_216 = arith.constant 0 : i32
        %dma_wait3A_217 = arith.constant 0 : i32
        %dma_wait3A_218 = tpu.memref_slice %arg2[%add3A, %dma_wait3A_216, %dma_wait3A_217] : memref<32x256x100xi32, #tpu.memory_space<hbm>> -> memref<1x2x100xi32, #tpu.memory_space<hbm>>
        %dma_wait3A_219 = tpu.memref_squeeze %dma_wait3A_218 : memref<1x2x100xi32, #tpu.memory_space<hbm>> -> memref<2x100xi32, #tpu.memory_space<hbm>>
        %dma_wait3A_220 = arith.constant 0 : i32
        %dma_wait3A_221 = arith.constant 0 : i32
        %dma_wait3A_222 = tpu.memref_slice %arg6[%dma_wait3A_211, %dma_wait3A_220, %dma_wait3A_221] : memref<2x2x100xi32, #tpu.memory_space<vmem>> -> memref<1x2x100xi32, #tpu.memory_space<vmem>>
        %dma_wait3A_223 = tpu.memref_squeeze %dma_wait3A_222 : memref<1x2x100xi32, #tpu.memory_space<vmem>> -> memref<2x100xi32, #tpu.memory_space<vmem>>
        %dma_wait3A_224 = arith.constant 0 : i32
        %dma_wait3A_225 = arith.constant 0 : i32
        %dma_wait3A_226 = tpu.memref_slice %arg2[%add3A, %dma_wait3A_224, %dma_wait3A_225] : memref<32x256x100xi32, #tpu.memory_space<hbm>> -> memref<1x2x100xi32, #tpu.memory_space<hbm>>
        %dma_wait3A_227 = tpu.memref_squeeze %dma_wait3A_226 : memref<1x2x100xi32, #tpu.memory_space<hbm>> -> memref<2x100xi32, #tpu.memory_space<hbm>>
        tpu.wait_dma2 semaphore(%arg12 : memref<!tpu.dma_semaphore, #tpu.memory_space<semaphore_mem>>) src(%dma_wait3A_227 : memref<2x100xi32, #tpu.memory_space<hbm>>) dst(%dma_wait3A_223 : memref<2x100xi32, #tpu.memory_space<vmem>>)
        %add3A_228 = arith.constant 2 : i32
        %add3A_229 = arith.addi %add3A_91, %add3A_228 : i32
        %dma_start3A_230 = arith.constant 0 : i32
        %dma_start3A_231 = arith.constant 0 : i32
        %dma_start3A_232 = arith.constant 0 : i32
        %dma_start3A_233 = arith.constant 0 : i32
        %dma_start3A_234 = arith.constant 0 : i32
        %dma_start3A_235 = tpu.memref_slice %arg7[%dma_start3A_232, %dma_start3A_233, %dma_start3A_234] : memref<2x200x64xf32, #tpu.memory_space<vmem>> -> memref<1x100x64xf32, #tpu.memory_space<vmem>>
        %dma_start3A_236 = tpu.memref_squeeze %dma_start3A_235 : memref<1x100x64xf32, #tpu.memory_space<vmem>> -> memref<100x64xf32, #tpu.memory_space<vmem>>
        %dma_start3A_237 = arith.constant 0 : i32
        %dma_start3A_238 = tpu.memref_slice %arg6[%dma_start3A_230, %dma_start3A_231, %dma_start3A_237] : memref<2x2x100xi32, #tpu.memory_space<vmem>> -> memref<1x1x100xi32, #tpu.memory_space<vmem>>
        %dma_start3A_239 = tpu.memref_squeeze %dma_start3A_238 : memref<1x1x100xi32, #tpu.memory_space<vmem>> -> memref<100xi32, #tpu.memory_space<vmem>>
        %dma_start3A_240 = arith.constant 0 : i32
        %dma_start3A_241 = arith.constant 0 : i32
        %dma_start3A_242 = tpu.memref_slice %arg3[%dma_start3A_240, %dma_start3A_241] : memref<100000x64xf32, #tpu.memory_space<hbm>> -> memref<100000x64xf32, #tpu.memory_space<hbm>>
        tpu.enqueue_indirect_dma source(%dma_start3A_242 : memref<100000x64xf32, #tpu.memory_space<hbm>>) target(%dma_start3A_236 : memref<100x64xf32, #tpu.memory_space<vmem>>) offsets(%dma_start3A_239 : memref<100xi32, #tpu.memory_space<vmem>>) semaphore(%arg10 : memref<!tpu.dma_semaphore, #tpu.memory_space<semaphore_mem>>)
        %dma_start3A_243 = arith.constant 0 : i32
        %dma_start3A_244 = arith.constant 1 : i32
        %dma_start3A_245 = arith.constant 0 : i32
        %dma_start3A_246 = arith.constant 100 : i32
        %dma_start3A_247 = arith.constant 0 : i32
        %dma_start3A_248 = tpu.memref_slice %arg7[%dma_start3A_245, %dma_start3A_246, %dma_start3A_247] : memref<2x200x64xf32, #tpu.memory_space<vmem>> -> memref<1x100x64xf32, #tpu.memory_space<vmem>>
        %dma_start3A_249 = tpu.memref_squeeze %dma_start3A_248 : memref<1x100x64xf32, #tpu.memory_space<vmem>> -> memref<100x64xf32, #tpu.memory_space<vmem>>
        %dma_start3A_250 = arith.constant 0 : i32
        %dma_start3A_251 = tpu.memref_slice %arg6[%dma_start3A_243, %dma_start3A_244, %dma_start3A_250] : memref<2x2x100xi32, #tpu.memory_space<vmem>> -> memref<1x1x100xi32, #tpu.memory_space<vmem>>
        %dma_start3A_252 = tpu.memref_squeeze %dma_start3A_251 : memref<1x1x100xi32, #tpu.memory_space<vmem>> -> memref<100xi32, #tpu.memory_space<vmem>>
        %dma_start3A_253 = arith.constant 0 : i32
        %dma_start3A_254 = arith.constant 0 : i32
        %dma_start3A_255 = tpu.memref_slice %arg3[%dma_start3A_253, %dma_start3A_254] : memref<100000x64xf32, #tpu.memory_space<hbm>> -> memref<100000x64xf32, #tpu.memory_space<hbm>>
        tpu.enqueue_indirect_dma source(%dma_start3A_255 : memref<100000x64xf32, #tpu.memory_space<hbm>>) target(%dma_start3A_249 : memref<100x64xf32, #tpu.memory_space<vmem>>) offsets(%dma_start3A_252 : memref<100xi32, #tpu.memory_space<vmem>>) semaphore(%arg10 : memref<!tpu.dma_semaphore, #tpu.memory_space<semaphore_mem>>)
      } else {
      }
      %mul3A_147 = arith.constant 2 : i32
      %mul3A_148 = arith.muli %scan3A_86, %mul3A_147 : i32
      %add3A_149 = arith.constant 1 : i32
      %add3A_150 = arith.addi %mul3A_148, %add3A_149 : i32
      %dma_wait3A_151 = arith.constant 1 : i32
      %dma_wait3A_152 = arith.constant 0 : i32
      %dma_wait3A_153 = arith.constant 0 : i32
      %dma_wait3A_154 = tpu.memref_slice %arg7[%dma_wait3A_151, %dma_wait3A_152, %dma_wait3A_153] : memref<2x200x64xf32, #tpu.memory_space<vmem>> -> memref<1x200x64xf32, #tpu.memory_space<vmem>>
      %dma_wait3A_155 = tpu.memref_squeeze %dma_wait3A_154 : memref<1x200x64xf32, #tpu.memory_space<vmem>> -> memref<200x64xf32, #tpu.memory_space<vmem>>
      %dma_wait3A_156 = arith.constant 0 : i32
      %dma_wait3A_157 = arith.constant 0 : i32
      %dma_wait3A_158 = tpu.memref_slice %arg3[%dma_wait3A_156, %dma_wait3A_157] : memref<100000x64xf32, #tpu.memory_space<hbm>> -> memref<200x64xf32, #tpu.memory_space<hbm>>
      %dma_wait3A_159 = arith.constant 0 : i32
      %dma_wait3A_160 = arith.constant 0 : i32
      %dma_wait3A_161 = tpu.memref_slice %arg7[%dma_wait3A_151, %dma_wait3A_159, %dma_wait3A_160] : memref<2x200x64xf32, #tpu.memory_space<vmem>> -> memref<1x200x64xf32, #tpu.memory_space<vmem>>
      %dma_wait3A_162 = tpu.memref_squeeze %dma_wait3A_161 : memref<1x200x64xf32, #tpu.memory_space<vmem>> -> memref<200x64xf32, #tpu.memory_space<vmem>>
      %dma_wait3A_163 = arith.constant 0 : i32
      %dma_wait3A_164 = arith.constant 0 : i32
      %dma_wait3A_165 = tpu.memref_slice %arg3[%dma_wait3A_163, %dma_wait3A_164] : memref<100000x64xf32, #tpu.memory_space<hbm>> -> memref<200x64xf32, #tpu.memory_space<hbm>>
      tpu.wait_dma2 semaphore(%arg10 : memref<!tpu.dma_semaphore, #tpu.memory_space<semaphore_mem>>) src(%dma_wait3A_165 : memref<200x64xf32, #tpu.memory_space<hbm>>) dst(%dma_wait3A_162 : memref<200x64xf32, #tpu.memory_space<vmem>>)
      %add3A_166 = arith.constant 2 : i32
      %add3A_167 = arith.addi %add3A_150, %add3A_166 : i32
      %lt3A_168 = arith.constant 128 : i32
      %lt3A_169 = arith.cmpi slt, %add3A_167, %lt3A_168 : i32
      %convert_element_type3A_170 = arith.extui %lt3A_169 : i1 to i32
      %cond3A_171 = arith.constant 0 : i32
      %cond3A_172 = arith.cmpi ne, %convert_element_type3A_170, %cond3A_171 : i32
      scf.if %cond3A_172 {
        %add3A_211 = arith.constant 2 : i32
        %add3A_212 = arith.addi %add3A_150, %add3A_211 : i32
        %mul3A_213 = arith.constant 2 : i32
        %mul3A_214 = arith.muli %add3A_212, %mul3A_213 : i32
        %dma_start3A_215 = arith.constant 1 : i32
        %dma_start3A_216 = arith.constant 0 : i32
        %dma_start3A_217 = arith.constant 0 : i32
        %dma_start3A_218 = tpu.memref_slice %arg6[%dma_start3A_215, %dma_start3A_216, %dma_start3A_217] : memref<2x2x100xi32, #tpu.memory_space<vmem>> -> memref<1x2x100xi32, #tpu.memory_space<vmem>>
        %dma_start3A_219 = tpu.memref_squeeze %dma_start3A_218 : memref<1x2x100xi32, #tpu.memory_space<vmem>> -> memref<2x100xi32, #tpu.memory_space<vmem>>
        %dma_start3A_220 = arith.constant 0 : i32
        %dma_start3A_221 = tpu.memref_slice %arg2[%add3A, %mul3A_214, %dma_start3A_220] : memref<32x256x100xi32, #tpu.memory_space<hbm>> -> memref<1x2x100xi32, #tpu.memory_space<hbm>>
        %dma_start3A_222 = tpu.memref_squeeze %dma_start3A_221 : memref<1x2x100xi32, #tpu.memory_space<hbm>> -> memref<2x100xi32, #tpu.memory_space<hbm>>
        %dma_start3A_223 = arith.constant 0 : i32
        %dma_start3A_224 = arith.constant 0 : i32
        %dma_start3A_225 = tpu.memref_slice %arg6[%dma_start3A_215, %dma_start3A_223, %dma_start3A_224] : memref<2x2x100xi32, #tpu.memory_space<vmem>> -> memref<1x2x100xi32, #tpu.memory_space<vmem>>
        %dma_start3A_226 = tpu.memref_squeeze %dma_start3A_225 : memref<1x2x100xi32, #tpu.memory_space<vmem>> -> memref<2x100xi32, #tpu.memory_space<vmem>>
        %dma_start3A_227 = arith.constant 0 : i32
        %dma_start3A_228 = tpu.memref_slice %arg2[%add3A, %mul3A_214, %dma_start3A_227] : memref<32x256x100xi32, #tpu.memory_space<hbm>> -> memref<1x2x100xi32, #tpu.memory_space<hbm>>
        %dma_start3A_229 = tpu.memref_squeeze %dma_start3A_228 : memref<1x2x100xi32, #tpu.memory_space<hbm>> -> memref<2x100xi32, #tpu.memory_space<hbm>>
        tpu.enqueue_dma source(%dma_start3A_229 : memref<2x100xi32, #tpu.memory_space<hbm>>) target(%dma_start3A_226 : memref<2x100xi32, #tpu.memory_space<vmem>>) target_semaphore(%arg12 : memref<!tpu.dma_semaphore, #tpu.memory_space<semaphore_mem>>)
      } else {
      }
      %ge3A_173 = arith.constant 2 : i32
      %ge3A_174 = arith.cmpi sge, %add3A_150, %ge3A_173 : i32
      %convert_element_type3A_175 = arith.extui %ge3A_174 : i1 to i32
      %cond3A_176 = arith.constant 0 : i32
      %cond3A_177 = arith.cmpi ne, %convert_element_type3A_175, %cond3A_176 : i32
      scf.if %cond3A_177 {
        %dma_wait3A_211 = arith.constant 1 : i32
        %dma_wait3A_212 = arith.constant 0 : i32
        %dma_wait3A_213 = arith.constant 0 : i32
        %dma_wait3A_214 = tpu.memref_slice %arg8[%dma_wait3A_211, %dma_wait3A_212, %dma_wait3A_213] : memref<2x200x64xf32, #tpu.memory_space<vmem>> -> memref<1x200x64xf32, #tpu.memory_space<vmem>>
        %dma_wait3A_215 = tpu.memref_squeeze %dma_wait3A_214 : memref<1x200x64xf32, #tpu.memory_space<vmem>> -> memref<200x64xf32, #tpu.memory_space<vmem>>
        %dma_wait3A_216 = arith.constant 0 : i32
        %dma_wait3A_217 = tpu.memref_slice %arg5[%mul3A_2, %dma_wait3A_216] : memref<819200x64xf32, #tpu.memory_space<hbm>> -> memref<200x64xf32, #tpu.memory_space<hbm>>
        %dma_wait3A_218 = arith.constant 0 : i32
        %dma_wait3A_219 = tpu.memref_slice %arg5[%mul3A_2, %dma_wait3A_218] : memref<819200x64xf32, #tpu.memory_space<hbm>> -> memref<200x64xf32, #tpu.memory_space<hbm>>
        %dma_wait3A_220 = arith.constant 0 : i32
        %dma_wait3A_221 = arith.constant 0 : i32
        %dma_wait3A_222 = tpu.memref_slice %arg8[%dma_wait3A_211, %dma_wait3A_220, %dma_wait3A_221] : memref<2x200x64xf32, #tpu.memory_space<vmem>> -> memref<1x200x64xf32, #tpu.memory_space<vmem>>
        %dma_wait3A_223 = tpu.memref_squeeze %dma_wait3A_222 : memref<1x200x64xf32, #tpu.memory_space<vmem>> -> memref<200x64xf32, #tpu.memory_space<vmem>>
        tpu.wait_dma2 semaphore(%arg11 : memref<!tpu.dma_semaphore, #tpu.memory_space<semaphore_mem>>) src(%dma_wait3A_223 : memref<200x64xf32, #tpu.memory_space<vmem>>) dst(%dma_wait3A_219 : memref<200x64xf32, #tpu.memory_space<hbm>>)
      } else {
      }
      %scan3A_178 = arith.constant 1 : i32
      %scan3A_179 = arith.constant 1 : i32
      %scan3A_180 = arith.constant 0 : i32
      %scan3A_181 = arith.constant 0 : i32
      %scan3A_182 = arith.constant 200 : i32
      %scan3A_183 = arith.addi %scan3A_181, %scan3A_182 : i32
      %scan3A_184 = arith.constant 1 : i32
      %scan3A_185 = scf.for %scan3A_211 = %scan3A_181 to %scan3A_183 step %scan3A_184 iter_args(%scan3A_212 = %scan3A_180) -> (i32)  : i32 {
        %get3A = arith.constant 0 : i32
        %get3A_213 = arith.constant 0 : i32
        %get3A_214 = tpu.memref_slice %arg7[%scan3A_178, %get3A, %get3A_213] : memref<2x200x64xf32, #tpu.memory_space<vmem>> -> memref<1x200x64xf32, #tpu.memory_space<vmem>>
        %get3A_215 = tpu.memref_squeeze %get3A_214 : memref<1x200x64xf32, #tpu.memory_space<vmem>> -> memref<200x64xf32, #tpu.memory_space<vmem>>
        %get3A_216 = arith.index_cast %scan3A_211 : i32 to index
        %get3A_217 = arith.constant 0 : index
        %get3A_218 = tpu.vector_load %get3A_215[%get3A_216, %get3A_217] {strides = array<i32>} : memref<200x64xf32, #tpu.memory_space<vmem>>, vector<1x16xf32>,
        %get3A_219 = vector.shape_cast %get3A_218 : vector<1x16xf32> to vector<16xf32>
        %mul3A_220 = arith.constant 8.000000e+00 : f32
        %mul3A_221 = vector.broadcast %mul3A_220 : f32 to vector<16xf32>
        %mul3A_222 = arith.mulf %get3A_219, %mul3A_221 : vector<16xf32>
        %get3A_223 = arith.index_cast %scan3A_211 : i32 to index
        %get3A_224 = arith.constant 0 : index
        %get3A_225 = tpu.vector_load %arg9[%get3A_223, %get3A_224] {strides = array<i32>} : memref<200x64xf32, #tpu.memory_space<vmem>>, vector<1x16xf32>,
        %get3A_226 = vector.shape_cast %get3A_225 : vector<1x16xf32> to vector<16xf32>
        %add3A_227 = arith.addf %mul3A_222, %get3A_226 : vector<16xf32>
        %swap3A = arith.constant 0 : i32
        %swap3A_228 = arith.constant 0 : i32
        %swap3A_229 = tpu.memref_slice %arg8[%scan3A_179, %swap3A, %swap3A_228] : memref<2x200x64xf32, #tpu.memory_space<vmem>> -> memref<1x200x64xf32, #tpu.memory_space<vmem>>
        %swap3A_230 = tpu.memref_squeeze %swap3A_229 : memref<1x200x64xf32, #tpu.memory_space<vmem>> -> memref<200x64xf32, #tpu.memory_space<vmem>>
        %swap3A_231 = arith.index_cast %scan3A_211 : i32 to index
        %swap3A_232 = arith.constant 0 : index
        %swap3A_233 = tpu.vector_load %swap3A_230[%swap3A_231, %swap3A_232] {strides = array<i32>} : memref<200x64xf32, #tpu.memory_space<vmem>>, vector<1x16xf32>,
        %swap3A_234 = vector.shape_cast %swap3A_233 : vector<1x16xf32> to vector<16xf32>
        %swap3A_235 = vector.shape_cast %add3A_227 : vector<16xf32> to vector<1x16xf32>
        tpu.vector_store %swap3A_230[%swap3A_231, %swap3A_232], %swap3A_235 {strides = array<i32>} : memref<200x64xf32, #tpu.memory_space<vmem>>, vector<1x16xf32>,
        %get3A_236 = arith.constant 0 : i32
        %get3A_237 = arith.constant 0 : i32
        %get3A_238 = tpu.memref_slice %arg7[%scan3A_178, %get3A_236, %get3A_237] : memref<2x200x64xf32, #tpu.memory_space<vmem>> -> memref<1x200x64xf32, #tpu.memory_space<vmem>>
        %get3A_239 = tpu.memref_squeeze %get3A_238 : memref<1x200x64xf32, #tpu.memory_space<vmem>> -> memref<200x64xf32, #tpu.memory_space<vmem>>
        %get3A_240 = arith.index_cast %scan3A_211 : i32 to index
        %get3A_241 = arith.constant 16 : index
        %get3A_242 = tpu.vector_load %get3A_239[%get3A_240, %get3A_241] {strides = array<i32>} : memref<200x64xf32, #tpu.memory_space<vmem>>, vector<1x16xf32>,
        %get3A_243 = vector.shape_cast %get3A_242 : vector<1x16xf32> to vector<16xf32>
        %mul3A_244 = arith.constant 8.000000e+00 : f32
        %mul3A_245 = vector.broadcast %mul3A_244 : f32 to vector<16xf32>
        %mul3A_246 = arith.mulf %get3A_243, %mul3A_245 : vector<16xf32>
        %get3A_247 = arith.index_cast %scan3A_211 : i32 to index
        %get3A_248 = arith.constant 16 : index
        %get3A_249 = tpu.vector_load %arg9[%get3A_247, %get3A_248] {strides = array<i32>} : memref<200x64xf32, #tpu.memory_space<vmem>>, vector<1x16xf32>,
        %get3A_250 = vector.shape_cast %get3A_249 : vector<1x16xf32> to vector<16xf32>
        %add3A_251 = arith.addf %mul3A_246, %get3A_250 : vector<16xf32>
        %swap3A_252 = arith.constant 0 : i32
        %swap3A_253 = arith.constant 0 : i32
        %swap3A_254 = tpu.memref_slice %arg8[%scan3A_179, %swap3A_252, %swap3A_253] : memref<2x200x64xf32, #tpu.memory_space<vmem>> -> memref<1x200x64xf32, #tpu.memory_space<vmem>>
        %swap3A_255 = tpu.memref_squeeze %swap3A_254 : memref<1x200x64xf32, #tpu.memory_space<vmem>> -> memref<200x64xf32, #tpu.memory_space<vmem>>
        %swap3A_256 = arith.index_cast %scan3A_211 : i32 to index
        %swap3A_257 = arith.constant 16 : index
        %swap3A_258 = tpu.vector_load %swap3A_255[%swap3A_256, %swap3A_257] {strides = array<i32>} : memref<200x64xf32, #tpu.memory_space<vmem>>, vector<1x16xf32>,
        %swap3A_259 = vector.shape_cast %swap3A_258 : vector<1x16xf32> to vector<16xf32>
        %swap3A_260 = vector.shape_cast %add3A_251 : vector<16xf32> to vector<1x16xf32>
        tpu.vector_store %swap3A_255[%swap3A_256, %swap3A_257], %swap3A_260 {strides = array<i32>} : memref<200x64xf32, #tpu.memory_space<vmem>>, vector<1x16xf32>,
        %get3A_261 = arith.constant 0 : i32
        %get3A_262 = arith.constant 0 : i32
        %get3A_263 = tpu.memref_slice %arg7[%scan3A_178, %get3A_261, %get3A_262] : memref<2x200x64xf32, #tpu.memory_space<vmem>> -> memref<1x200x64xf32, #tpu.memory_space<vmem>>
        %get3A_264 = tpu.memref_squeeze %get3A_263 : memref<1x200x64xf32, #tpu.memory_space<vmem>> -> memref<200x64xf32, #tpu.memory_space<vmem>>
        %get3A_265 = arith.index_cast %scan3A_211 : i32 to index
        %get3A_266 = arith.constant 32 : index
        %get3A_267 = tpu.vector_load %get3A_264[%get3A_265, %get3A_266] {strides = array<i32>} : memref<200x64xf32, #tpu.memory_space<vmem>>, vector<1x16xf32>,
        %get3A_268 = vector.shape_cast %get3A_267 : vector<1x16xf32> to vector<16xf32>
        %mul3A_269 = arith.constant 8.000000e+00 : f32
        %mul3A_270 = vector.broadcast %mul3A_269 : f32 to vector<16xf32>
        %mul3A_271 = arith.mulf %get3A_268, %mul3A_270 : vector<16xf32>
        %get3A_272 = arith.index_cast %scan3A_211 : i32 to index
        %get3A_273 = arith.constant 32 : index
        %get3A_274 = tpu.vector_load %arg9[%get3A_272, %get3A_273] {strides = array<i32>} : memref<200x64xf32, #tpu.memory_space<vmem>>, vector<1x16xf32>,
        %get3A_275 = vector.shape_cast %get3A_274 : vector<1x16xf32> to vector<16xf32>
        %add3A_276 = arith.addf %mul3A_271, %get3A_275 : vector<16xf32>
        %swap3A_277 = arith.constant 0 : i32
        %swap3A_278 = arith.constant 0 : i32
        %swap3A_279 = tpu.memref_slice %arg8[%scan3A_179, %swap3A_277, %swap3A_278] : memref<2x200x64xf32, #tpu.memory_space<vmem>> -> memref<1x200x64xf32, #tpu.memory_space<vmem>>
        %swap3A_280 = tpu.memref_squeeze %swap3A_279 : memref<1x200x64xf32, #tpu.memory_space<vmem>> -> memref<200x64xf32, #tpu.memory_space<vmem>>
        %swap3A_281 = arith.index_cast %scan3A_211 : i32 to index
        %swap3A_282 = arith.constant 32 : index
        %swap3A_283 = tpu.vector_load %swap3A_280[%swap3A_281, %swap3A_282] {strides = array<i32>} : memref<200x64xf32, #tpu.memory_space<vmem>>, vector<1x16xf32>,
        %swap3A_284 = vector.shape_cast %swap3A_283 : vector<1x16xf32> to vector<16xf32>
        %swap3A_285 = vector.shape_cast %add3A_276 : vector<16xf32> to vector<1x16xf32>
        tpu.vector_store %swap3A_280[%swap3A_281, %swap3A_282], %swap3A_285 {strides = array<i32>} : memref<200x64xf32, #tpu.memory_space<vmem>>, vector<1x16xf32>,
        %get3A_286 = arith.constant 0 : i32
        %get3A_287 = arith.constant 0 : i32
        %get3A_288 = tpu.memref_slice %arg7[%scan3A_178, %get3A_286, %get3A_287] : memref<2x200x64xf32, #tpu.memory_space<vmem>> -> memref<1x200x64xf32, #tpu.memory_space<vmem>>
        %get3A_289 = tpu.memref_squeeze %get3A_288 : memref<1x200x64xf32, #tpu.memory_space<vmem>> -> memref<200x64xf32, #tpu.memory_space<vmem>>
        %get3A_290 = arith.index_cast %scan3A_211 : i32 to index
        %get3A_291 = arith.constant 48 : index
        %get3A_292 = tpu.vector_load %get3A_289[%get3A_290, %get3A_291] {strides = array<i32>} : memref<200x64xf32, #tpu.memory_space<vmem>>, vector<1x16xf32>,
        %get3A_293 = vector.shape_cast %get3A_292 : vector<1x16xf32> to vector<16xf32>
        %mul3A_294 = arith.constant 8.000000e+00 : f32
        %mul3A_295 = vector.broadcast %mul3A_294 : f32 to vector<16xf32>
        %mul3A_296 = arith.mulf %get3A_293, %mul3A_295 : vector<16xf32>
        %get3A_297 = arith.index_cast %scan3A_211 : i32 to index
        %get3A_298 = arith.constant 48 : index
        %get3A_299 = tpu.vector_load %arg9[%get3A_297, %get3A_298] {strides = array<i32>} : memref<200x64xf32, #tpu.memory_space<vmem>>, vector<1x16xf32>,
        %get3A_300 = vector.shape_cast %get3A_299 : vector<1x16xf32> to vector<16xf32>
        %add3A_301 = arith.addf %mul3A_296, %get3A_300 : vector<16xf32>
        %swap3A_302 = arith.constant 0 : i32
        %swap3A_303 = arith.constant 0 : i32
        %swap3A_304 = tpu.memref_slice %arg8[%scan3A_179, %swap3A_302, %swap3A_303] : memref<2x200x64xf32, #tpu.memory_space<vmem>> -> memref<1x200x64xf32, #tpu.memory_space<vmem>>
        %swap3A_305 = tpu.memref_squeeze %swap3A_304 : memref<1x200x64xf32, #tpu.memory_space<vmem>> -> memref<200x64xf32, #tpu.memory_space<vmem>>
        %swap3A_306 = arith.index_cast %scan3A_211 : i32 to index
        %swap3A_307 = arith.constant 48 : index
        %swap3A_308 = tpu.vector_load %swap3A_305[%swap3A_306, %swap3A_307] {strides = array<i32>} : memref<200x64xf32, #tpu.memory_space<vmem>>, vector<1x16xf32>,
        %swap3A_309 = vector.shape_cast %swap3A_308 : vector<1x16xf32> to vector<16xf32>
        %swap3A_310 = vector.shape_cast %add3A_301 : vector<16xf32> to vector<1x16xf32>
        tpu.vector_store %swap3A_305[%swap3A_306, %swap3A_307], %swap3A_310 {strides = array<i32>} : memref<200x64xf32, #tpu.memory_space<vmem>>, vector<1x16xf32>,
        %scan3A_311 = arith.constant 0 : i32
        scf.yield %scan3A_311 : i32
      }
      %scan3A_186 = arith.constant 200 : i32
      %mul3A_187 = arith.constant 200 : i32
      %mul3A_188 = arith.muli %add3A_150, %mul3A_187 : i32
      %add3A_189 = arith.addi %mul3A_2, %mul3A_188 : i32
      %dma_start3A_190 = arith.constant 1 : i32
      %dma_start3A_191 = arith.constant 0 : i32
      %dma_start3A_192 = arith.constant 0 : i32
      %dma_start3A_193 = tpu.memref_slice %arg8[%dma_start3A_190, %dma_start3A_191, %dma_start3A_192] : memref<2x200x64xf32, #tpu.memory_space<vmem>> -> memref<1x200x64xf32, #tpu.memory_space<vmem>>
      %dma_start3A_194 = tpu.memref_squeeze %dma_start3A_193 : memref<1x200x64xf32, #tpu.memory_space<vmem>> -> memref<200x64xf32, #tpu.memory_space<vmem>>
      %dma_start3A_195 = arith.constant 0 : i32
      %dma_start3A_196 = tpu.memref_slice %arg5[%add3A_189, %dma_start3A_195] : memref<819200x64xf32, #tpu.memory_space<hbm>> -> memref<200x64xf32, #tpu.memory_space<hbm>>
      %dma_start3A_197 = arith.constant 0 : i32
      %dma_start3A_198 = tpu.memref_slice %arg5[%add3A_189, %dma_start3A_197] : memref<819200x64xf32, #tpu.memory_space<hbm>> -> memref<200x64xf32, #tpu.memory_space<hbm>>
      %dma_start3A_199 = arith.constant 0 : i32
      %dma_start3A_200 = arith.constant 0 : i32
      %dma_start3A_201 = tpu.memref_slice %arg8[%dma_start3A_190, %dma_start3A_199, %dma_start3A_200] : memref<2x200x64xf32, #tpu.memory_space<vmem>> -> memref<1x200x64xf32, #tpu.memory_space<vmem>>
      %dma_start3A_202 = tpu.memref_squeeze %dma_start3A_201 : memref<1x200x64xf32, #tpu.memory_space<vmem>> -> memref<200x64xf32, #tpu.memory_space<vmem>>
      tpu.enqueue_dma source(%dma_start3A_202 : memref<200x64xf32, #tpu.memory_space<vmem>>) target(%dma_start3A_198 : memref<200x64xf32, #tpu.memory_space<hbm>>) target_semaphore(%arg11 : memref<!tpu.dma_semaphore, #tpu.memory_space<semaphore_mem>>)
      %add3A_203 = arith.constant 2 : i32
      %add3A_204 = arith.addi %add3A_150, %add3A_203 : i32
      %lt3A_205 = arith.constant 128 : i32
      %lt3A_206 = arith.cmpi slt, %add3A_204, %lt3A_205 : i32
      %convert_element_type3A_207 = arith.extui %lt3A_206 : i1 to i32
      %cond3A_208 = arith.constant 0 : i32
      %cond3A_209 = arith.cmpi ne, %convert_element_type3A_207, %cond3A_208 : i32
      scf.if %cond3A_209 {
        %dma_wait3A_211 = arith.constant 1 : i32
        %dma_wait3A_212 = arith.constant 0 : i32
        %dma_wait3A_213 = arith.constant 0 : i32
        %dma_wait3A_214 = tpu.memref_slice %arg6[%dma_wait3A_211, %dma_wait3A_212, %dma_wait3A_213] : memref<2x2x100xi32, #tpu.memory_space<vmem>> -> memref<1x2x100xi32, #tpu.memory_space<vmem>>
        %dma_wait3A_215 = tpu.memref_squeeze %dma_wait3A_214 : memref<1x2x100xi32, #tpu.memory_space<vmem>> -> memref<2x100xi32, #tpu.memory_space<vmem>>
        %dma_wait3A_216 = arith.constant 0 : i32
        %dma_wait3A_217 = arith.constant 0 : i32
        %dma_wait3A_218 = tpu.memref_slice %arg2[%add3A, %dma_wait3A_216, %dma_wait3A_217] : memref<32x256x100xi32, #tpu.memory_space<hbm>> -> memref<1x2x100xi32, #tpu.memory_space<hbm>>
        %dma_wait3A_219 = tpu.memref_squeeze %dma_wait3A_218 : memref<1x2x100xi32, #tpu.memory_space<hbm>> -> memref<2x100xi32, #tpu.memory_space<hbm>>
        %dma_wait3A_220 = arith.constant 0 : i32
        %dma_wait3A_221 = arith.constant 0 : i32
        %dma_wait3A_222 = tpu.memref_slice %arg6[%dma_wait3A_211, %dma_wait3A_220, %dma_wait3A_221] : memref<2x2x100xi32, #tpu.memory_space<vmem>> -> memref<1x2x100xi32, #tpu.memory_space<vmem>>
        %dma_wait3A_223 = tpu.memref_squeeze %dma_wait3A_222 : memref<1x2x100xi32, #tpu.memory_space<vmem>> -> memref<2x100xi32, #tpu.memory_space<vmem>>
        %dma_wait3A_224 = arith.constant 0 : i32
        %dma_wait3A_225 = arith.constant 0 : i32
        %dma_wait3A_226 = tpu.memref_slice %arg2[%add3A, %dma_wait3A_224, %dma_wait3A_225] : memref<32x256x100xi32, #tpu.memory_space<hbm>> -> memref<1x2x100xi32, #tpu.memory_space<hbm>>
        %dma_wait3A_227 = tpu.memref_squeeze %dma_wait3A_226 : memref<1x2x100xi32, #tpu.memory_space<hbm>> -> memref<2x100xi32, #tpu.memory_space<hbm>>
        tpu.wait_dma2 semaphore(%arg12 : memref<!tpu.dma_semaphore, #tpu.memory_space<semaphore_mem>>) src(%dma_wait3A_227 : memref<2x100xi32, #tpu.memory_space<hbm>>) dst(%dma_wait3A_223 : memref<2x100xi32, #tpu.memory_space<vmem>>)
        %add3A_228 = arith.constant 2 : i32
        %add3A_229 = arith.addi %add3A_150, %add3A_228 : i32
        %dma_start3A_230 = arith.constant 1 : i32
        %dma_start3A_231 = arith.constant 0 : i32
        %dma_start3A_232 = arith.constant 1 : i32
        %dma_start3A_233 = arith.constant 0 : i32
        %dma_start3A_234 = arith.constant 0 : i32
        %dma_start3A_235 = tpu.memref_slice %arg7[%dma_start3A_232, %dma_start3A_233, %dma_start3A_234] : memref<2x200x64xf32, #tpu.memory_space<vmem>> -> memref<1x100x64xf32, #tpu.memory_space<vmem>>
        %dma_start3A_236 = tpu.memref_squeeze %dma_start3A_235 : memref<1x100x64xf32, #tpu.memory_space<vmem>> -> memref<100x64xf32, #tpu.memory_space<vmem>>
        %dma_start3A_237 = arith.constant 0 : i32
        %dma_start3A_238 = tpu.memref_slice %arg6[%dma_start3A_230, %dma_start3A_231, %dma_start3A_237] : memref<2x2x100xi32, #tpu.memory_space<vmem>> -> memref<1x1x100xi32, #tpu.memory_space<vmem>>
        %dma_start3A_239 = tpu.memref_squeeze %dma_start3A_238 : memref<1x1x100xi32, #tpu.memory_space<vmem>> -> memref<100xi32, #tpu.memory_space<vmem>>
        %dma_start3A_240 = arith.constant 0 : i32
        %dma_start3A_241 = arith.constant 0 : i32
        %dma_start3A_242 = tpu.memref_slice %arg3[%dma_start3A_240, %dma_start3A_241] : memref<100000x64xf32, #tpu.memory_space<hbm>> -> memref<100000x64xf32, #tpu.memory_space<hbm>>
        tpu.enqueue_indirect_dma source(%dma_start3A_242 : memref<100000x64xf32, #tpu.memory_space<hbm>>) target(%dma_start3A_236 : memref<100x64xf32, #tpu.memory_space<vmem>>) offsets(%dma_start3A_239 : memref<100xi32, #tpu.memory_space<vmem>>) semaphore(%arg10 : memref<!tpu.dma_semaphore, #tpu.memory_space<semaphore_mem>>)
        %dma_start3A_243 = arith.constant 1 : i32
        %dma_start3A_244 = arith.constant 1 : i32
        %dma_start3A_245 = arith.constant 1 : i32
        %dma_start3A_246 = arith.constant 100 : i32
        %dma_start3A_247 = arith.constant 0 : i32
        %dma_start3A_248 = tpu.memref_slice %arg7[%dma_start3A_245, %dma_start3A_246, %dma_start3A_247] : memref<2x200x64xf32, #tpu.memory_space<vmem>> -> memref<1x100x64xf32, #tpu.memory_space<vmem>>
        %dma_start3A_249 = tpu.memref_squeeze %dma_start3A_248 : memref<1x100x64xf32, #tpu.memory_space<vmem>> -> memref<100x64xf32, #tpu.memory_space<vmem>>
        %dma_start3A_250 = arith.constant 0 : i32
        %dma_start3A_251 = tpu.memref_slice %arg6[%dma_start3A_243, %dma_start3A_244, %dma_start3A_250] : memref<2x2x100xi32, #tpu.memory_space<vmem>> -> memref<1x1x100xi32, #tpu.memory_space<vmem>>
        %dma_start3A_252 = tpu.memref_squeeze %dma_start3A_251 : memref<1x1x100xi32, #tpu.memory_space<vmem>> -> memref<100xi32, #tpu.memory_space<vmem>>
        %dma_start3A_253 = arith.constant 0 : i32
        %dma_start3A_254 = arith.constant 0 : i32
        %dma_start3A_255 = tpu.memref_slice %arg3[%dma_start3A_253, %dma_start3A_254] : memref<100000x64xf32, #tpu.memory_space<hbm>> -> memref<100000x64xf32, #tpu.memory_space<hbm>>
        tpu.enqueue_indirect_dma source(%dma_start3A_255 : memref<100000x64xf32, #tpu.memory_space<hbm>>) target(%dma_start3A_249 : memref<100x64xf32, #tpu.memory_space<vmem>>) offsets(%dma_start3A_252 : memref<100xi32, #tpu.memory_space<vmem>>) semaphore(%arg10 : memref<!tpu.dma_semaphore, #tpu.memory_space<semaphore_mem>>)
      } else {
      }
      %scan3A_210 = arith.constant 0 : i32
      scf.yield %scan3A_210 : i32
    }
    %scan3A_60 = arith.constant 64 : i32
    %dma_wait3A = arith.constant 0 : i32
    %dma_wait3A_61 = arith.constant 0 : i32
    %dma_wait3A_62 = arith.constant 0 : i32
    %dma_wait3A_63 = tpu.memref_slice %arg8[%dma_wait3A, %dma_wait3A_61, %dma_wait3A_62] : memref<2x200x64xf32, #tpu.memory_space<vmem>> -> memref<1x200x64xf32, #tpu.memory_space<vmem>>
    %dma_wait3A_64 = tpu.memref_squeeze %dma_wait3A_63 : memref<1x200x64xf32, #tpu.memory_space<vmem>> -> memref<200x64xf32, #tpu.memory_space<vmem>>
    %dma_wait3A_65 = arith.constant 0 : i32
    %dma_wait3A_66 = tpu.memref_slice %arg5[%mul3A_2, %dma_wait3A_65] : memref<819200x64xf32, #tpu.memory_space<hbm>> -> memref<200x64xf32, #tpu.memory_space<hbm>>
    %dma_wait3A_67 = arith.constant 0 : i32
    %dma_wait3A_68 = tpu.memref_slice %arg5[%mul3A_2, %dma_wait3A_67] : memref<819200x64xf32, #tpu.memory_space<hbm>> -> memref<200x64xf32, #tpu.memory_space<hbm>>
    %dma_wait3A_69 = arith.constant 0 : i32
    %dma_wait3A_70 = arith.constant 0 : i32
    %dma_wait3A_71 = tpu.memref_slice %arg8[%dma_wait3A, %dma_wait3A_69, %dma_wait3A_70] : memref<2x200x64xf32, #tpu.memory_space<vmem>> -> memref<1x200x64xf32, #tpu.memory_space<vmem>>
    %dma_wait3A_72 = tpu.memref_squeeze %dma_wait3A_71 : memref<1x200x64xf32, #tpu.memory_space<vmem>> -> memref<200x64xf32, #tpu.memory_space<vmem>>
    tpu.wait_dma2 semaphore(%arg11 : memref<!tpu.dma_semaphore, #tpu.memory_space<semaphore_mem>>) src(%dma_wait3A_72 : memref<200x64xf32, #tpu.memory_space<vmem>>) dst(%dma_wait3A_68 : memref<200x64xf32, #tpu.memory_space<hbm>>)
    %dma_wait3A_73 = arith.constant 1 : i32
    %dma_wait3A_74 = arith.constant 0 : i32
    %dma_wait3A_75 = arith.constant 0 : i32
    %dma_wait3A_76 = tpu.memref_slice %arg8[%dma_wait3A_73, %dma_wait3A_74, %dma_wait3A_75] : memref<2x200x64xf32, #tpu.memory_space<vmem>> -> memref<1x200x64xf32, #tpu.memory_space<vmem>>
    %dma_wait3A_77 = tpu.memref_squeeze %dma_wait3A_76 : memref<1x200x64xf32, #tpu.memory_space<vmem>> -> memref<200x64xf32, #tpu.memory_space<vmem>>
    %dma_wait3A_78 = arith.constant 0 : i32
    %dma_wait3A_79 = tpu.memref_slice %arg5[%mul3A_2, %dma_wait3A_78] : memref<819200x64xf32, #tpu.memory_space<hbm>> -> memref<200x64xf32, #tpu.memory_space<hbm>>
    %dma_wait3A_80 = arith.constant 0 : i32
    %dma_wait3A_81 = tpu.memref_slice %arg5[%mul3A_2, %dma_wait3A_80] : memref<819200x64xf32, #tpu.memory_space<hbm>> -> memref<200x64xf32, #tpu.memory_space<hbm>>
    %dma_wait3A_82 = arith.constant 0 : i32
    %dma_wait3A_83 = arith.constant 0 : i32
    %dma_wait3A_84 = tpu.memref_slice %arg8[%dma_wait3A_73, %dma_wait3A_82, %dma_wait3A_83] : memref<2x200x64xf32, #tpu.memory_space<vmem>> -> memref<1x200x64xf32, #tpu.memory_space<vmem>>
    %dma_wait3A_85 = tpu.memref_squeeze %dma_wait3A_84 : memref<1x200x64xf32, #tpu.memory_space<vmem>> -> memref<200x64xf32, #tpu.memory_space<vmem>>
    tpu.wait_dma2 semaphore(%arg11 : memref<!tpu.dma_semaphore, #tpu.memory_space<semaphore_mem>>) src(%dma_wait3A_85 : memref<200x64xf32, #tpu.memory_space<vmem>>) dst(%dma_wait3A_81 : memref<200x64xf32, #tpu.memory_space<hbm>>)
    return
  }
}

</mosaic_0001>

<sc_bundles>
// kernel: kernel.3.cloned.1.call-start
scs
__scs_entry_jumppad:
0x0: {  	(pc) =	sbr.rel $0x88, $3  }
0x1: {  	(tag) =	ssettag $0x0;
	lr =	simm.s32 $0x1  }
0x2: {  	[smem:$0x3F9E] =	sst lr;
	_ =	strace $0xD0000000  }
0x3: {  	_ = 	snop  }
0x4: {  	_ = 	snop  }
0x5: {  	_ = 	snop  }
0x6: {  	_ = 	snop  }
0x7: {  	_ = 	snop  }
__scs_overlays_trampoline_lowered:
0x8: {  	[smem:$0x3FAD] =	sst s0  }
0x9: {  	[smem:$0x3FAE] =	sst s1  }
0xa: {  	[smem:$0x3FAF] =	sst s2  }
0xb: {  	[smem:$0x3FB0] =	sst s3  }
0xc: {  	[smem:$0x3FB1] =	sst s4  }
0xd: {  	[smem:$0x3FB2] =	sst s5  }
0xe: {  	[smem:$0x3FB3] =	sst s6  }
0xf: {  	[smem:$0x3FB4] =	sst s7  }
0x10: {  	[smem:$0x3FB5] =	sst s8  }
0x11: {  	[smem:$0x3FB6] =	sst s9;
	s0 =	simm.s32 @!p0 $0x0  }
0x12: {  	s1 =	sld [smem:$0x3F9C];
	s0 =	simm.s32 @p0 $0x1  }
0x13: {  	[smem:$0x3FB7] =	sst s0;
	s0 =	simm.s32 @!p1 $0x0  }
0x14: {  	s2 =	sld [smem:$0x3F9B];
	s0 =	simm.s32 @p1 $0x1  }
0x15: {  	[smem:$0x3FB8] =	sst s0;
	s0 =	simm.s32 @!p2 $0x0  }
0x16: {  	s3 =	sld [smem:$0x3FDB];
	s0 =	simm.s32 @p2 $0x1  }
0x17: {  	s4 =	simm.s32 $0x1BF5;
	[smem:$0x3FBA] =	sst s0  }
0x18: {  	s0 =	sld [smem:$0x3F9D];
	_ =	swait.ge [sflag:s4], $0x0  }
0x19: {  	s7 =	sld [smem:$0x3F9E]  }
0x1a: {  	s8 =	sadd.s32 $0xFFFFE003, lr  }
0x1b: {  	s9 =	sadd.s32 $0xFFFFFEF7, lr;
	s5 =	simm.s32 $0xFFFFFFFF;
	p2 =	slt.u32 s8, $0xFFFFF086  }
0x1c: {  	p1 =	slt.u32 s9, $0xF7A;
	s5 =	simm.s32 @!p2 $0x0  }
0x1d: {  	s5 =	simm.s32 @p1 $0x1;
	p0 =	seq.s32 s7, s2  }
0x1e: {  	s7 =	smul.u32 @!p0 $0xF7A, s2;
	p2 =	seq.s32 @!p0 s5, $0x0  }
0x1f: {  	s9 =	smul.u32 $0xF7A, s1;
	s8 =	simm.s32 @!p0 $0x1BF5;
	p2 =	por !p2, p0  }
0x20: {  	[sflag:s8] =	ssyncset.s32 @!p0 $0xFFFFF086;
	s6 =	sadd.s32 @!p0 s3, s7;
	s7 =	simm.s32 @!p0 $0x108  }
0x21: {  	s3 =	sadd.s32 s3, s9;
	s6 =	sadd.s32 @!p0 $0x88, s6;
	s7 =	simm.s32 @p2 $0x1082  }
0x22: {  	[simem:s7], [sflag:s8] =	dma.local @!p0 [hbm:s6], $0xF7A  }
0x23: {  	s9 =	sor.u32 $0xD0000000, s2;
	s6 =	simm.s32 $0x108;
	_ =	swait.ge @!p0 [sflag:s8], $0x0  }
0x24: {  	s3 =	sadd.s32 $0x88, s3;
	s6 =	simm.s32 @!p1 $0x1082;
	[sflag:s4] =	ssyncset.s32 $0xFFFFF086  }
0x25: {  	[simem:s6], [sflag:s4] =	dma.local [hbm:s3], $0xF7A  }
0x26: {  	[smem:$0x3F9E] =	sst s1;
	(tag) =	ssettag s2;
	_ =	strace s9  }
0x27: {  	s1 =	sld [smem:$0x3FAE]  }
0x28: {  	s2 =	sld [smem:$0x3FAF]  }
0x29: {  	s4 =	sld [smem:$0x3FB1]  }
0x2a: {  	p0 =	seq.s32 s5, $0x0;
	s5 =	sld [smem:$0x3FB2]  }
0x2b: {  	s6 =	sld [smem:$0x3FB3]  }
0x2c: {  	s7 =	sld [smem:$0x3FB4]  }
0x2d: {  	s3 =	simm.s32 $0x108;
	s8 =	sld [smem:$0x3FB5]  }
0x2e: {  	s3 =	simm.s32 @!p0 $0x1082;
	s9 =	sld [smem:$0x3FB6]  }
0x2f: {  	lr =	sadd.s32 s0, s3;
	s0 =	sld [smem:$0x3FAD]  }
0x30: {  	s3 =	sld [smem:$0x3FB0]  }
0x31: {  	[smem:$0x3FB9] =	sst s10  }
0x32: {  	s10 =	sld [smem:$0x3FB7];
	_ =	sdelay $0x3  }
0x33: {  	p0 =	seq.s32 s10, $0x1;
	s10 =	sld [smem:$0x3FB9];
	_ =	sdelay $0x3  }
0x34: {  	[smem:$0x3FB9] =	sst s10  }
0x35: {  	s10 =	sld [smem:$0x3FB8];
	_ =	sdelay $0x3  }
0x36: {  	p1 =	seq.s32 s10, $0x1;
	s10 =	sld [smem:$0x3FB9];
	_ =	sdelay $0x3  }
0x37: {  	[smem:$0x3FB9] =	sst s10  }
0x38: {  	s10 =	sld [smem:$0x3FBA]  }
0x39: {  	_ = 	snop;
	(pc) =	sbr.ind lr, $3  }
0x3a: {  	_ = 	snop  }
0x3b: {  	_ = 	snop  }
0x3c: {  	p2 =	seq.s32 s10, $0x1;
	s10 =	sld [smem:$0x3FB9]  }
0x3d: {  	_ =	shalt  }
0x3e: {  	_ =	shalt  }
0x3f: {  	_ =	shalt  }
0x40: {  	_ =	shalt  }
0x41: {  	_ =	shalt  }
0x42: {  	_ =	shalt  }
0x43: {  	_ =	shalt  }
0x44: {  	_ =	shalt  }
0x45: {  	_ =	shalt  }
0x46: {  	_ =	shalt  }
0x47: {  	_ =	shalt  }
0x48: {  	_ =	shalt  }
0x49: {  	_ =	shalt  }
0x4a: {  	_ =	shalt  }
0x4b: {  	_ =	shalt  }
0x4c: {  	_ =	shalt  }
0x4d: {  	_ =	shalt  }
0x4e: {  	_ =	shalt  }
0x4f: {  	_ =	shalt  }
0x50: {  	_ =	shalt  }
0x51: {  	_ =	shalt  }
0x52: {  	_ =	shalt  }
0x53: {  	_ =	shalt  }
0x54: {  	_ =	shalt  }
0x55: {  	_ =	shalt  }
0x56: {  	_ =	shalt  }
0x57: {  	_ =	shalt  }
0x58: {  	_ =	shalt  }
0x59: {  	_ =	shalt  }
0x5a: {  	_ =	shalt  }
0x5b: {  	_ =	shalt  }
0x5c: {  	_ =	shalt  }
0x5d: {  	_ =	shalt  }
0x5e: {  	_ =	shalt  }
0x5f: {  	_ =	shalt  }
0x60: {  	_ =	shalt  }
0x61: {  	_ =	shalt  }
0x62: {  	_ =	shalt  }
0x63: {  	_ =	shalt  }
0x64: {  	_ =	shalt  }
0x65: {  	_ =	shalt  }
0x66: {  	_ =	shalt  }
0x67: {  	_ =	shalt  }
0x68: {  	_ =	shalt  }
0x69: {  	_ =	shalt  }
0x6a: {  	_ =	shalt  }
0x6b: {  	_ =	shalt  }
0x6c: {  	_ =	shalt  }
0x6d: {  	_ =	shalt  }
0x6e: {  	_ =	shalt  }
0x6f: {  	_ =	shalt  }
0x70: {  	_ =	shalt  }
0x71: {  	_ =	shalt  }
0x72: {  	_ =	shalt  }
0x73: {  	_ =	shalt  }
0x74: {  	_ =	shalt  }
0x75: {  	_ =	shalt  }
0x76: {  	_ =	shalt  }
0x77: {  	_ =	shalt  }
0x78: {  	_ =	shalt  }
0x79: {  	_ =	shalt  }
0x7a: {  	_ =	shalt  }
0x7b: {  	_ =	shalt  }
0x7c: {  	_ =	shalt  }
0x7d: {  	_ =	shalt  }
0x7e: {  	_ =	shalt  }
0x7f: {  	_ =	shalt  }
0x80: {  	_ =	shalt  }
0x81: {  	_ =	shalt  }
0x82: {  	_ =	shalt  }
0x83: {  	_ =	shalt  }
0x84: {  	_ =	shalt  }
0x85: {  	_ =	shalt  }
0x86: {  	_ =	shalt  }
0x87: {  	_ =	shalt  }
.Lfunc_end0:
.L_simem_size_0:
called_computation.1_lowered:
.L_overlay_start_0:
0x88: {  	s2 =	sld [smem:$0x3FD9]  }
0x89: {  	s3 =	sld [smem:$0x3FFE];
	_ =	sdelay $0x1  }
0x8a: {  	s1 =	srdreg.scid  }
0x8b: {  	s0 =	sand.u32 $0x1, s1  }
0x8c: {  	s17 =	sshll.u32 s0, $0xA;
	s2 =	sadd.s32 s3, s2  }
0x8d: {  	s2 =	sadd.s32 s2, s17  }
0x8e: {  	[smem:$0x3FC5] =	sst s2  }
0x8f: {  	_ = 	snop  }
0x90: {  	s2 =	sld [smem:$0x3FD0];
	(tm) =	ssettm $0x1  }
0x91: {  	s18 =	sld [smem:$0x3FFB];
	_ =	sdelay $0x3  }
0x92: {  	_ =	strace s18  }
0x93: {  	s3 =	sld [smem:$0x3FFC];
	_ =	sdelay $0x3  }
0x94: {  	_ =	strace s3  }
0x95: {  	s3 =	sld [smem:$0x3FFD];
	_ =	sdelay $0x3  }
0x96: {  	_ =	strace s3  }
0x97: {  	_ =	strace $0x8FFFFFFF  }
0x98: {  	s19 =	sld [smem:$0x3FDB];
	_ =	sdelay $0x1  }
0x99: {  	s4 =	simm.s32 $_scs_section_size  }
0x9a: {  	s5 =	simm.s32 $_size__tile_overlayer_lowered;
	s6 =	simm.s32 $_tile_overlayer_lowered  }
0x9b: {  	s22 =	simm.s32 $0x1BFF;
	s21 =	sshll.u32 s6, $0x1;
	s3 =	sadd.s32 s4, s19  }
0x9c: {  	s7 =	simm.s32 $0x0;
	s20 =	sshll.u32 s5, $0x1;
	s5 =	sadd.s32 s21, s3  }
0x9d: {  	[timem:s7], [sflag:s22] =	dma.local [hbm:s5], s20  }
0x9e: {  	_ =	swait.ge [sflag:s22], s20  }
0x9f: {  	s4 =	ssub.s32 $0x0, s20;
	[sflag:s22] =	ssyncset.done $0x0  }
0xa0: {  	[sflag:s22] =	ssyncadd.s32 s4;
	_ =	sdelay $0x1  }
0xa1: {  	s23 =	simm.s32 $0x1B8B  }
0xa2: {  	_ =	swait.ge [sflag:s23], $0x1  }
0xa3: {  	[sflag:s23] =	ssyncset.done $0x0  }
0xa4: {  	s25 =	simm.s32 $0x1B8E;
	s24 =	sld [smem:$0x3FFE];
	[sflag:s23] =	ssyncadd.s32 $0xFFFFFFFF  }
0xa5: {  	s26 =	simm.s32 $execute0_lowered;
	[smem:$0x3FD2] =	sst s25  }
0xa6: {  	s5 =	sshll.u32 s26, $0x1;
	_ =	strace $0x80000046;
	[dreg:$0x1] =	wrdreg $0xFFFFFFFF  }
0xa7: {  	s28 =	simm.s32 $_size_execute0_lowered;
	s3 =	sadd.s32 s3, s5;
	[dreg:$0x0] =	wrdreg $0x0  }
0xa8: {  	s5 =	sshll.u32 s28, $0x1;
	[dreg:$0x2] =	wrdreg s3  }
0xa9: {  	[dreg:$0x3] =	wrdreg s5  }
0xaa: {  	[dreg:$0x4] =	wrdreg $0xC0  }
0xab: {  	_ =	task [dreg:s7], $0x5FFFF  }
0xac: {  	[dreg:$0x1] =	wrdreg $0xFFFFFFFF  }
0xad: {  	[dreg:$0x0] =	wrdreg $0x60  }
0xae: {  	[dreg:$0x2] =	wrdreg s24  }
0xaf: {  	[dreg:$0x3] =	wrdreg s2  }
0xb0: {  	[dreg:$0x4] =	wrdreg $0x9  }
0xb1: {  	_ =	task.clear_ibuf [dreg:s7], $0x5FFFF;
	_ =	strace $0x90000046  }
0xb2: {  	s29 =	simm.s32 $0x9;
	_ =	strace $0x80000048  }
0xb3: {  	_ =	swait.ge [sflag:s29], $0x1  }
0xb4: {  	[sflag:s29] =	ssyncadd.s32 $0xFFFFFFFF  }
0xb5: {  	_ =	strace $0x90000048  }
0xb6: {  	_ =	sfence  }
0xb7: {  	s30 =	sld [smem:$0x0];
	_ =	sdelay $0x2  }
0xb8: {  	s31 =	sshll.u32 s1, $0xD;
	s1 =	sshrl.u32 s1, $0x2  }
0xb9: {  	s3 =	sand.u32 $0x4000, s31;
	s1 =	sadd.s32 s1, s30  }
0xba: {  	s0 =	sor.u32 s3, s0;
	s1 =	sshll.u32 s1, $0x11  }
0xbb: {  	s0 =	sor.u32 s1, s0  }
0xbc: {  	s0 =	sadd.s32 $0x8F2B, s0  }
0xbd: {  	[sflag:s0] =	ssyncadd.remote.s32 $0x1  }
0xbe: {  	_ =	sfence.sel $0xFFFF  }
0xbf: {  	[dreg:$0x0] =	wrdreg $0xFFFFFFFF;
	(pc) =	sbr.abs _section_cstart, $3  }
0xc0: {  	[dreg:$0x1] =	wrdreg $0xFFFFFFFF  }
0xc1: {  	_ =	task.clear_ibuf [dreg:s7], $0x2FFFF;
	_ =	strace $0x9FFFFFFF  }
0xc2: {  	(tm) =	ssettm $0x7FFFFFFF  }
0xc3: {  	_ =	shalt  }
tec
execute0_lowered:
.L_overlay_start_1:
0x0: {  	(tag) =	ssettag $0x1  }
0x1: {  	s0 =	rddreg [dreg:$0x0]  }
0x2: {  	s2 =	rddreg [dreg:$0x1];
	s1 =	srdreg.scid  }
0x3: {  	s4 =	stileid.u32;
	s3 =	simm.s32 $0x0;
	s15 =	simm.s32 $0x4  }
0x4: {  	s16 =	simm.s32 $0x64;
	s19 =	simm.s32 $0x1AA0;
	s20 =	simm.s32 $0xD0  }
0x5: {  	s21 =	simm.s32 $0x33A0;
	s22 =	simm.s32 $0x138;
	s23 =	simm.s32 $0x4CA0  }
0x6: {  	s24 =	simm.s32 $0x1;
	s25 =	simm.s32 $0x65A0;
	s26 =	simm.s32 $0x97A0  }
0x7: {  	s28 =	simm.s32 $0x2;
	s1 =	sand.u32 $0x1, s1;
	s4 =	sshll.u32 s4, $0x1  }
0x8: {  	s29 =	simm.s32 $0x3;
	s30 =	simm.s32 $0x0;
	s7 =	sor.u32 s1, s4  }
0x9: {  	[smem:$0x7FF] =	sst s3;
	s5 =	sadd.s32 $0x1B200, s0;
	s11 =	smul.u32 $0x6800, s7  }
.Ltmp0:
0xa: {  	s6 =	sadd.s32 $0xA00, s0;
	s1 =	ssub.s32 $0x2, s1;
	(pc) =	sbr.rel .LBB2_1-.Ltmp0, $4  }
0xb: {  	_ =	strace $0x80000047;
	s4 =	sadd.s32 $0x1200, s0;
	s31 =	sshrl.u32 s1, $0x1  }
0xc: {  	s7 =	smul.u32 $0x6400, s7;
	s0 =	ssub.s32 s1, s31;
	s8 =	sshrl.u32 s11, $0x3  }
0xd: {  	s10 =	sor.u32 $0x1A0, s11;
	s11 =	sor.u32 $0x270, s11;
	s8 =	sadd.s32 s4, s8  }
0xe: {  	s12 =	sor.u32 $0xC8, s7;
	s13 =	smax.u32 s0, $0x1;
	s9 =	sadd.s32 $0x1A, s8  }
.LBB2_11:
0xf: {  	s30 =	sadd.s32 $0x1, s30  }
0x10: {  	_ =	swait.ge [sflag:s28], $0x3200;
	p0 =	sne.s32 s30, s13  }
.Ltmp1:
0x11: {  	[sflag:s28] =	ssyncset.done $0x0;
	(pc) =	sbr.rel @!p0 .LBB2_12-.Ltmp1, $4  }
0x12: {  	[sflag:s28] =	ssyncadd.s32 $0xFFFFCE00  }
0x13: {  	_ =	swait.ge [sflag:s28], $0x3200  }
0x14: {  	[sflag:s28] =	ssyncset.done $0x0  }
0x15: {  	[sflag:s28] =	ssyncadd.s32 $0xFFFFCE00  }
.LBB2_1:
0x16: {  	s0 =	simm.s32 $0xC9A0  }
0x17: {  	[tilespmem:s0], [sflag:$0x4] =	stream.linear.gather [hbm4b:s6+s3], $0x3200, $0x38;
	[tilespmem:$0xFBA0] =	vst v63  }
0x18: {  	_ =	swait.ge [sflag:s15], $0x3200  }
0x19: {  	[sflag:s15] =	ssyncset.done $0x0  }
0x1a: {  	[sflag:s15] =	ssyncadd.s32 $0xFFFFCE00  }
0x1b: {  	[tilespmem:s3], [sflag:$0x4] =	stream.linear.gather [hbm4b:s8+s3], $0xD0, $0x38;
	[tilespmem:$0xFBA0] =	vst v63  }
0x1c: {  	_ =	swait.ge [sflag:s15], $0xD0  }
0x1d: {  	[sflag:s15] =	ssyncset.done $0x0  }
0x1e: {  	s17 =	simm.s32 $0x1A0;
	[sflag:s15] =	ssyncadd.s32 $0xFFFFFF30  }
0x1f: {  	[tilespmem:s17], [sflag:$0x1] =	stream.indirect.gather [hbm4b:s5+s16], $0x40, s3, s16, $0xb8;
	[tilespmem:$0xFBA0] =	vst v63  }
0x20: {  	s18 =	simm.s32 $0x68  }
0x21: {  	[tilespmem:s19], [sflag:$0x1] =	stream.indirect.gather [hbm4b:s5+s16], $0x40, s18, s16, $0xb8;
	[tilespmem:$0xFBA0] =	vst v63  }
0x22: {  	_ = 	snop  }
0x23: {  	[tilespmem:s20], [sflag:$0x4] =	stream.linear.gather [hbm4b:s9+s3], $0xD0, $0x38;
	[tilespmem:$0xFBA0] =	vst v63  }
0x24: {  	_ =	swait.ge [sflag:s15], $0xD0  }
0x25: {  	[sflag:s15] =	ssyncset.done $0x0  }
0x26: {  	[sflag:s15] =	ssyncadd.s32 $0xFFFFFF30  }
0x27: {  	[tilespmem:s21], [sflag:$0x1] =	stream.indirect.gather [hbm4b:s5+s16], $0x40, s20, s16, $0xb8;
	[tilespmem:$0xFBA0] =	vst v63  }
0x28: {  	s31 =	simm.s32 $0x0  }
0x29: {  	[tilespmem:s23], [sflag:$0x1] =	stream.indirect.gather [hbm4b:s5+s16], $0x40, s22, s16, $0xb8;
	[tilespmem:$0xFBA0] =	vst v63  }
.LBB2_2:
0x2a: {  	p0 =	seq.s32 s31, $0x3F  }
0x2b: {  	p1 =	seq.s32 @!p0 s31, $0x0  }
0x2c: {  	s0 =	smul.u32 @!p0 $0x1A0, s31;
	p1 =	por p0, !p1  }
.Ltmp2:
0x2d: {  	_ = 	snop;
	(pc) =	sbr.rel @!p1 .LBB2_3-.Ltmp2, $4  }
0x2e: {  	_ =	swait.ge [sflag:s24], $0x3200;
	s0 =	sadd.s32 @!p0 s0, s10  }
0x2f: {  	[sflag:s24] =	ssyncset.done $0x0;
	s0 =	sshrl.u32 @!p0 s0, $0x3  }
0x30: {  	s1 =	simm.s32 @!p0 $0x0;
	[sflag:s24] =	ssyncadd.s32 $0xFFFFCE00;
	s0 =	sadd.s32 @!p0 s4, s0  }
0x31: {  	[tilespmem:s1], [sflag:$0x3] =	stream.linear.gather @!p0 [hbm4b:s0+s1], $0xD0, $0x38;
	[tilespmem:$0xFBA0] =	vst v63  }
.Ltmp3:
0x32: {  	(pc) =	sbr.rel .LBB2_5-.Ltmp3, $4  }
0x33: {  	_ = 	snop  }
0x34: {  	_ =	swait.ge [sflag:s28], $0x3200  }
0x35: {  	[sflag:s28] =	ssyncset.done $0x0  }
0x36: {  	p1 =	por $0x0, $0x0;
	[sflag:s28] =	ssyncadd.s32 $0xFFFFCE00  }
.LBB2_3:
0x37: {  	p1 =	por @!p0 $0x1, $0x1  }
.LBB2_5:
0x38: {  	s0 =	simm.s32 $0x0  }
0x39: {  	v3 =	vld [tilespmem:s0+$0x1D0]  }
0x3a: {  	v4 =	vld [tilespmem:s0+$0x1A0]  }
0x3b: {  	v6 =	vld [tilespmem:s0+$0xC9D0]  }
0x3c: {  	v1 =	vld [tilespmem:s0+$0x1B0]  }
0x3d: {  	v0 =	vld [tilespmem:s0+$0x1C0]  }
0x3e: {  	v2 =	vld [tilespmem:s0+$0xC9A0];
	v7 =	vmul.f32 $8.000000000e+00, v3  }
0x3f: {  	v3 =	vld [tilespmem:s0+$0xC9B0]  }
0x40: {  	s1 =	simm.s32 $0x40;
	s14 =	simm.s32 $0x200;
	v5 =	vmul.f32 $8.000000000e+00, v4;
	v4 =	vld [tilespmem:s0+$0xC9C0];
	v6 =	vadd.f32 v6, v7  }
.LBB2_6:
0x41: {  	p2 =	sne.s32 s14, $0xC700;
	v7 =	vld [tilespmem:s1+$0x1D0];
	v8 =	vmul.f32 $8.000000000e+00, v1  }
0x42: {  	v9 =	vld [tilespmem:s1+$0x1A0];
	v10 =	vmul.f32 $8.000000000e+00, v0;
	[tilespmem:s0+$0x65D0] =	vst v6  }
0x43: {  	v6 =	vld [tilespmem:s1+$0xC9D0];
	v2 =	vadd.f32 v2, v5  }
.Ltmp4:
0x44: {  	v1 =	vld [tilespmem:s1+$0x1B0];
	v3 =	vadd.f32 v3, v8;
	(pc) =	sbr.rel @p2 .LBB2_6-.Ltmp4, $4  }
0x45: {  	v0 =	vld [tilespmem:s1+$0x1C0];
	[tilespmem:s0+$0x65A0] =	vst v2;
	v4 =	vadd.f32 v4, v10  }
0x46: {  	v2 =	vld [tilespmem:s1+$0xC9A0];
	v7 =	vmul.f32 $8.000000000e+00, v7;
	[tilespmem:s0+$0x65B0] =	vst v3  }
0x47: {  	v5 =	vmul.f32 $8.000000000e+00, v9;
	v3 =	vld [tilespmem:s1+$0xC9B0];
	[tilespmem:s0+$0x65C0] =	vst v4;
	s0 =	smov.u32 s1  }
0x48: {  	s1 =	sshra.s32 s14, $0x2;
	s14 =	sadd.s32 $0x100, s14;
	v4 =	vld [tilespmem:s0+$0xC9C0];
	v6 =	vadd.f32 v6, v7  }
0x49: {  	v7 =	vld [tilespmem:s1+$0x1D0]  }
0x4a: {  	v8 =	vld [tilespmem:s1+$0x1A0];
	v1 =	vmul.f32 $8.000000000e+00, v1;
	[tilespmem:s0+$0x65D0] =	vst v6  }
0x4b: {  	v0 =	vmul.f32 $8.000000000e+00, v0;
	v6 =	vld [tilespmem:s1+$0xC9D0];
	v2 =	vadd.f32 v2, v5  }
0x4c: {  	v5 =	vld [tilespmem:s1+$0x1B0];
	v1 =	vadd.f32 v3, v1  }
0x4d: {  	v9 =	vld [tilespmem:s1+$0x1C0];
	[tilespmem:s0+$0x65A0] =	vst v2;
	v0 =	vadd.f32 v4, v0  }
0x4e: {  	v2 =	vld [tilespmem:s1+$0xC9A0];
	[tilespmem:s0+$0x65B0] =	vst v1  }
0x4f: {  	v1 =	vld [tilespmem:s1+$0xC9B0];
	[tilespmem:s0+$0x65C0] =	vst v0  }
0x50: {  	v0 =	vmul.f32 $8.000000000e+00, v7;
	v3 =	vld [tilespmem:s1+$0xC9C0]  }
0x51: {  	v4 =	vmul.f32 $8.000000000e+00, v8  }
0x52: {  	v5 =	vmul.f32 $8.000000000e+00, v5;
	v0 =	vadd.f32 v6, v0  }
0x53: {  	s0 =	smul.u32 $0x190, s31;
	v6 =	vmul.f32 $8.000000000e+00, v9;
	v2 =	vadd.f32 v2, v4  }
0x54: {  	[tilespmem:s1+$0x65D0] =	vst v0;
	v0 =	vadd.f32 v1, v5  }
0x55: {  	s14 =	sadd.s32 s7, s0;
	[tilespmem:s1+$0x65A0] =	vst v2;
	v1 =	vadd.f32 v3, v6  }
0x56: {  	p2 =	sne.s32 s31, $0x3F;
	s14 =	sshll.u32 s14, $0x3;
	[tilespmem:s1+$0x65B0] =	vst v0  }
0x57: {  	s18 =	sadd.s32 s2, s14;
	[tilespmem:s1+$0x65C0] =	vst v1;
	s1 =	simm.s32 @p2 $0x3  }
0x58: {  	[hbm4b:s18+s3] =	stream.linear.scatter [tilespmem:s25], [sflag:$0x2], $0x3200, $0x38;
	[tilespmem:$0xFBA0] =	vst v63  }
0x59: {  	_ =	swait.ge @p2 [sflag:s1], $0xD0  }
0x5a: {  	s17 =	simm.s32 @p2 $0x1A0;
	[sflag:s1] =	ssyncset.done @p2 $0x0  }
0x5b: {  	s14 =	simm.s32 @p2 $0x0;
	[sflag:s1] =	ssyncadd.s32 @p2 $0xFFFFFF30;
	s1 =	simm.s32 @p2 $0x64  }
0x5c: {  	[tilespmem:s17], [sflag:$0x1] =	stream.indirect.gather @p2 [hbm4b:s5+s1], $0x40, s14, s1, $0xb8;
	[tilespmem:$0xFBA0] =	vst v63  }
0x5d: {  	s18 =	simm.s32 @p2 $0x1AA0;
	s17 =	simm.s32 @p2 $0x68  }
0x5e: {  	[tilespmem:s18], [sflag:$0x1] =	stream.indirect.gather @p2 [hbm4b:s5+s1], $0x40, s17, s1, $0xb8;
	[tilespmem:$0xFBA0] =	vst v63  }
0x5f: {  	s1 =	smul.u32 @p2 $0x1A0, s31  }
0x60: {  	s17 =	simm.s32 @p2 $0x1  }
0x61: {  	_ =	swait.ge @p2 [sflag:s17], $0x3200;
	s1 =	sadd.s32 @p2 s1, s11  }
0x62: {  	[sflag:s17] =	ssyncset.done @p2 $0x0;
	s1 =	sshrl.u32 @p2 s1, $0x3  }
0x63: {  	[sflag:s17] =	ssyncadd.s32 @p2 $0xFFFFCE00;
	s17 =	simm.s32 @p2 $0xD0;
	s1 =	sadd.s32 @p2 s4, s1  }
0x64: {  	[tilespmem:s17], [sflag:$0x3] =	stream.linear.gather @p2 [hbm4b:s1+s14], $0xD0, $0x38;
	[tilespmem:$0xFBA0] =	vst v63  }
0x65: {  	s1 =	simm.s32 @!p2 $0x1  }
0x66: {  	_ =	swait.ge @!p2 [sflag:s1], $0x3200  }
0x67: {  	[sflag:s1] =	ssyncset.done @!p2 $0x0  }
0x68: {  	[sflag:s1] =	ssyncadd.s32 @!p2 $0xFFFFCE00;
	s1 =	simm.s32 @!p1 $0x2  }
0x69: {  	_ =	swait.ge @!p1 [sflag:s1], $0x3200  }
0x6a: {  	[sflag:s1] =	ssyncset.done @!p1 $0x0  }
0x6b: {  	s14 =	simm.s32 $0x0;
	[sflag:s1] =	ssyncadd.s32 @!p1 $0xFFFFCE00  }
0x6c: {  	v3 =	vld [tilespmem:s14+$0x33D0]  }
0x6d: {  	v4 =	vld [tilespmem:s14+$0x33A0]  }
0x6e: {  	v6 =	vld [tilespmem:s14+$0xC9D0]  }
0x6f: {  	v1 =	vld [tilespmem:s14+$0x33B0]  }
0x70: {  	v0 =	vld [tilespmem:s14+$0x33C0]  }
0x71: {  	v2 =	vld [tilespmem:s14+$0xC9A0];
	v7 =	vmul.f32 $8.000000000e+00, v3  }
0x72: {  	v3 =	vld [tilespmem:s14+$0xC9B0]  }
0x73: {  	s17 =	simm.s32 $0x200;
	s1 =	simm.s32 $0x40;
	v5 =	vmul.f32 $8.000000000e+00, v4;
	v4 =	vld [tilespmem:s14+$0xC9C0];
	v6 =	vadd.f32 v6, v7  }
.LBB2_8:
0x74: {  	p1 =	sne.s32 s17, $0xC700;
	v7 =	vld [tilespmem:s1+$0x33D0];
	v8 =	vmul.f32 $8.000000000e+00, v1  }
0x75: {  	v9 =	vld [tilespmem:s1+$0x33A0];
	v10 =	vmul.f32 $8.000000000e+00, v0;
	[tilespmem:s14+$0x97D0] =	vst v6  }
0x76: {  	v6 =	vld [tilespmem:s1+$0xC9D0];
	v2 =	vadd.f32 v2, v5  }
.Ltmp5:
0x77: {  	v1 =	vld [tilespmem:s1+$0x33B0];
	v3 =	vadd.f32 v3, v8;
	(pc) =	sbr.rel @p1 .LBB2_8-.Ltmp5, $4  }
0x78: {  	v0 =	vld [tilespmem:s1+$0x33C0];
	[tilespmem:s14+$0x97A0] =	vst v2;
	v4 =	vadd.f32 v4, v10  }
0x79: {  	v2 =	vld [tilespmem:s1+$0xC9A0];
	v7 =	vmul.f32 $8.000000000e+00, v7;
	[tilespmem:s14+$0x97B0] =	vst v3  }
0x7a: {  	v5 =	vmul.f32 $8.000000000e+00, v9;
	v3 =	vld [tilespmem:s1+$0xC9B0];
	[tilespmem:s14+$0x97C0] =	vst v4;
	s14 =	smov.u32 s1  }
0x7b: {  	s1 =	sshra.s32 s17, $0x2;
	s17 =	sadd.s32 $0x100, s17;
	v4 =	vld [tilespmem:s14+$0xC9C0];
	v6 =	vadd.f32 v6, v7  }
0x7c: {  	v7 =	vld [tilespmem:s1+$0x33D0]  }
0x7d: {  	v8 =	vld [tilespmem:s1+$0x33A0];
	v1 =	vmul.f32 $8.000000000e+00, v1;
	[tilespmem:s14+$0x97D0] =	vst v6  }
0x7e: {  	v0 =	vmul.f32 $8.000000000e+00, v0;
	v6 =	vld [tilespmem:s1+$0xC9D0];
	v2 =	vadd.f32 v2, v5  }
0x7f: {  	v57 =	vld [tilespmem:s1+$0x33B0];
	v1 =	vadd.f32 v3, v1  }
0x80: {  	v9 =	vld [tilespmem:s1+$0x33C0];
	[tilespmem:s14+$0x97A0] =	vst v2;
	v0 =	vadd.f32 v4, v0  }
0x81: {  	v2 =	vld [tilespmem:s1+$0xC9A0];
	[tilespmem:s14+$0x97B0] =	vst v1  }
0x82: {  	v1 =	vld [tilespmem:s1+$0xC9B0];
	[tilespmem:s14+$0x97C0] =	vst v0  }
0x83: {  	v58 =	vmul.f32 $8.000000000e+00, v7;
	v59 =	vld [tilespmem:s1+$0xC9C0]  }
0x84: {  	v60 =	vmul.f32 $8.000000000e+00, v8  }
0x85: {  	v0 =	vadd.f32 v6, v58;
	v5 =	vmul.f32 $8.000000000e+00, v57  }
0x86: {  	v61 =	vmul.f32 $8.000000000e+00, v9;
	v2 =	vadd.f32 v2, v60  }
.Ltmp6:
0x87: {  	s0 =	sadd.s32 s0, s12;
	[tilespmem:s1+$0x97D0] =	vst v0;
	v62 =	vadd.f32 v1, v5;
	(pc) =	sbr.rel @p0 .LBB2_11-.Ltmp6, $4  }
0x88: {  	s0 =	sshll.u32 s0, $0x3;
	[tilespmem:s1+$0x97A0] =	vst v2;
	v63 =	vadd.f32 v59, v61  }
0x89: {  	s0 =	sand.u32 $0x1FFFFFC0, s0;
	[tilespmem:s1+$0x97B0] =	vst v62  }
0x8a: {  	s0 =	sadd.s32 s2, s0;
	[tilespmem:s1+$0x97C0] =	vst v63  }
0x8b: {  	[hbm4b:s0+s3] =	stream.linear.scatter [tilespmem:s26], [sflag:$0x2], $0x3200, $0x38;
	[tilespmem:$0xFBA0] =	vst v63  }
0x8c: {  	_ =	swait.ge [sflag:s29], $0xD0  }
.Ltmp7:
0x8d: {  	[sflag:s29] =	ssyncset.done $0x0;
	(pc) =	sbr.rel .LBB2_2-.Ltmp7, $4  }
0x8e: {  	[sflag:s29] =	ssyncadd.s32 $0xFFFFFF30  }
0x8f: {  	[tilespmem:s21], [sflag:$0x1] =	stream.indirect.gather [hbm4b:s5+s16], $0x40, s20, s16, $0xb8;
	[tilespmem:$0xFBA0] =	vst v63  }
0x90: {  	s31 =	sadd.s32 $0x1, s31  }
0x91: {  	[tilespmem:s23], [sflag:$0x1] =	stream.indirect.gather [hbm4b:s5+s16], $0x40, s22, s16, $0xb8;
	[tilespmem:$0xFBA0] =	vst v63  }
.LBB2_12:
0x92: {  	_ =	sfence.sel $0x180000  }
0x93: {  	[bflag:$0x0] =	sbarrier.arrive $0xFFFF  }
0x94: {  	_ =	strace $0x90000047  }
0x95: {  	s0 =	stileid.u32;
	[bflag:$0x2] =	sbarrier.arrive $0xFFFF  }
0x96: {  	p0 =	sne.s32 s0, $0x0;
	s0 =	rddreg [dreg:$0x2]  }
0x97: {  	s0 =	sadd.s32 @!p0 $0x100000, s0  }
0x98: {  	[sflag:s0] =	ssyncadd.tile.s32 @!p0 $0x1;
	_ =	shalt  }
.Lfunc_end2:
_tile_overlayer_lowered:
.L_overlay_start_2:
0x99: {  	(tag) =	ssettag $0x2  }
0x9a: {  	s0 =	rddreg [dreg:$0x0];
	s2 =	stileid.u32  }
0x9b: {  	s1 =	rddreg [dreg:$0x1];
	p0 =	sne.s32 s2, $0x0  }
0x9c: {  	s3 =	rddreg [dreg:$0x2];
	[bflag:$0x3] =	sbarrier.arrive $0xFFFF;
	s2 =	simm.s32 @!p0 $0x1C04  }
0x9d: {  	[timem:s3], [sflag:s2] =	dma.local @!p0 [hbm:s0], s1  }
0x9e: {  	s0 =	simm.s32 @!p0 $0x4  }
0x9f: {  	_ =	swait.ge @!p0 [sflag:s0], s1  }
0xa0: {  	s1 =	ssub.s32 @!p0 $0x0, s1;
	[sflag:s0] =	ssyncset.done @!p0 $0x0  }
0xa1: {  	[sflag:s0] =	ssyncadd.s32 @!p0 s1  }
0xa2: {  	[bflag:$0x3] =	sbarrier.arrive $0xFFFF  }
0xa3: {  	_ =	shalt  }

// kernel: sparse-core-data-format-call.cloned.1.call-start
scs
called_computation_lowered:
.L_overlay_start_0:
0x0: {  	s2 =	sld [smem:$0x3FD9]  }
0x1: {  	s3 =	sld [smem:$0x3FFE];
	_ =	sdelay $0x1  }
0x2: {  	s1 =	srdreg.scid  }
0x3: {  	s0 =	sand.u32 $0x1, s1  }
0x4: {  	s18 =	sshll.u32 s0, $0xA;
	s2 =	sadd.s32 s3, s2  }
0x5: {  	s2 =	sadd.s32 s2, s18  }
0x6: {  	[smem:$0x3FC5] =	sst s2  }
0x7: {  	_ = 	snop  }
0x8: {  	s2 =	sld [smem:$0x3FD0];
	(tm) =	ssettm $0x1  }
0x9: {  	s19 =	sld [smem:$0x3FFB];
	_ =	sdelay $0x3  }
0xa: {  	_ =	strace s19  }
0xb: {  	s3 =	sld [smem:$0x3FFC];
	_ =	sdelay $0x3  }
0xc: {  	_ =	strace s3  }
0xd: {  	s3 =	sld [smem:$0x3FFD];
	_ =	sdelay $0x3  }
0xe: {  	_ =	strace s3  }
0xf: {  	_ =	strace $0x8FFFFFFF  }
0x10: {  	s20 =	sld [smem:$0x3FDB];
	_ =	sdelay $0x1  }
0x11: {  	s4 =	simm.s32 $_scs_section_size  }
0x12: {  	s5 =	simm.s32 $_size__tile_overlayer_lowered;
	s6 =	simm.s32 $_tile_overlayer_lowered  }
0x13: {  	s23 =	simm.s32 $0x1BFF;
	s22 =	sshll.u32 s6, $0x1;
	s3 =	sadd.s32 s4, s20  }
0x14: {  	s7 =	simm.s32 $0x0;
	s21 =	sshll.u32 s5, $0x1;
	s5 =	sadd.s32 s22, s3  }
0x15: {  	[timem:s7], [sflag:s23] =	dma.local [hbm:s5], s21  }
0x16: {  	_ =	swait.ge [sflag:s23], s21  }
0x17: {  	s4 =	ssub.s32 $0x0, s21;
	[sflag:s23] =	ssyncset.done $0x0  }
0x18: {  	[sflag:s23] =	ssyncadd.s32 s4;
	_ =	sdelay $0x1  }
0x19: {  	s24 =	simm.s32 $0x1B8B  }
0x1a: {  	_ =	swait.ge [sflag:s24], $0x1  }
0x1b: {  	[sflag:s24] =	ssyncset.done $0x0  }
0x1c: {  	s26 =	simm.s32 $0x1B8E;
	s25 =	sld [smem:$0x3FFE];
	[sflag:s24] =	ssyncadd.s32 $0xFFFFFFFF  }
0x1d: {  	s27 =	simm.s32 $execute0_lowered;
	[smem:$0x3FD2] =	sst s26  }
0x1e: {  	s5 =	sshll.u32 s27, $0x1;
	_ =	strace $0x80000049;
	[dreg:$0x1] =	wrdreg $0xFFFFFFFF  }
0x1f: {  	s28 =	simm.s32 $_size_execute0_lowered;
	s3 =	sadd.s32 s3, s5;
	[dreg:$0x0] =	wrdreg $0x0  }
0x20: {  	s5 =	sshll.u32 s28, $0x1;
	[dreg:$0x2] =	wrdreg s3  }
0x21: {  	[dreg:$0x3] =	wrdreg s5  }
0x22: {  	[dreg:$0x4] =	wrdreg $0xC0  }
0x23: {  	_ =	task [dreg:s7], $0x5FFFF  }
0x24: {  	[dreg:$0x1] =	wrdreg $0xFFFFFFFF  }
0x25: {  	[dreg:$0x0] =	wrdreg $0x60  }
0x26: {  	[dreg:$0x2] =	wrdreg s25  }
0x27: {  	[dreg:$0x3] =	wrdreg s2  }
0x28: {  	[dreg:$0x4] =	wrdreg $0x9  }
0x29: {  	_ =	task.clear_ibuf [dreg:s7], $0x5FFFF;
	_ =	strace $0x90000049  }
0x2a: {  	s29 =	simm.s32 $0x9;
	_ =	strace $0x8000004B  }
0x2b: {  	_ =	swait.ge [sflag:s29], $0x1  }
0x2c: {  	[sflag:s29] =	ssyncadd.s32 $0xFFFFFFFF  }
0x2d: {  	_ =	strace $0x9000004B  }
0x2e: {  	_ =	sfence  }
0x2f: {  	s30 =	sld [smem:$0x0];
	_ =	sdelay $0x2  }
0x30: {  	s31 =	sshll.u32 s1, $0xD;
	s1 =	sshrl.u32 s1, $0x2  }
0x31: {  	s3 =	sand.u32 $0x4000, s31;
	s1 =	sadd.s32 s1, s30  }
0x32: {  	s0 =	sor.u32 s3, s0;
	s1 =	sshll.u32 s1, $0x11  }
0x33: {  	s0 =	sor.u32 s1, s0  }
0x34: {  	s0 =	sadd.s32 $0x8F2B, s0  }
0x35: {  	[sflag:s0] =	ssyncadd.remote.s32 $0x1  }
0x36: {  	_ =	sfence.sel $0xFFFF  }
0x37: {  	[dreg:$0x0] =	wrdreg $0xFFFFFFFF;
	(pc) =	sbr.abs _section_cstart, $3  }
0x38: {  	[dreg:$0x1] =	wrdreg $0xFFFFFFFF  }
0x39: {  	_ =	task.clear_ibuf [dreg:s7], $0x2FFFF;
	_ =	strace $0x9FFFFFFF  }
0x3a: {  	(tm) =	ssettm $0x7FFFFFFF  }
0x3b: {  	_ =	shalt  }
tec
execute0_lowered:
.L_overlay_start_1:
0x0: {  	(tag) =	ssettag $0x1  }
0x1: {  	s0 =	srdreg.scid  }
0x2: {  	s1 =	sshll.u32 s0, $0x4  }
0x3: {  	s0 =	stileid.u32;
	s1 =	sand.u32 $0x10, s1  }
0x4: {  	s1 =	sor.u32 s0, s1  }
0x5: {  	s6 =	rddreg [dreg:$0x0];
	s4 =	simm.s32 $0x1;
	s2 =	sshll.u32 s1, $0x7  }
0x6: {  	s7 =	simm.s32 $0x2;
	s12 =	simm.s32 $0x0;
	s1 =	ssub.s32 $0x1000, s2  }
0x7: {  	s8 =	simm.s32 $0x8000;
	s13 =	simm.s32 $0x0;
	s3 =	sand.u32 $0xF80, s1  }
0x8: {  	s9 =	simm.s32 $0x0;
	s5 =	sshrl.u32 s1, $0xC;
	p0 =	sne.s32 s3, $0x0  }
.Ltmp0:
0x9: {  	s1 =	rddreg [dreg:$0x2];
	s4 =	simm.s32 @!p0 $0x0;
	(pc) =	sbr.rel .LBB1_1-.Ltmp0, $4  }
0xa: {  	s11 =	simm.s32 $0x0;
	s3 =	rddreg [dreg:$0x1];
	s5 =	sadd.s32 s4, s5  }
0xb: {  	_ =	strace $0x8000004A;
	s4 =	simm.s32 $0x1;
	s5 =	smul.u32 $0xC8, s5  }
0xc: {  	s6 =	sadd.s32 $0xA00, s6;
	s10 =	smov.u32 s2;
	[sflag:s4] =	ssyncpa.u1 $0x0  }
0xd: {  	p0 =	por $0x0, $0x0;
	[sflag:s7] =	ssyncpa.u1 $0x0;
	s7 =	sor.u32 $0x1, s5  }
.LBB1_4:
0xe: {  	s16 =	sshll.u32 s13, $0x3;
	s17 =	sand.u32 $0x78, s13  }
0xf: {  	s30 =	sand.u32 $0x7E00, s13;
	s12 =	sshll.u32 s12, $0xF;
	s16 =	sand.u32 $0xC00, s16  }
0x10: {  	[tilespmem:s15+$0x810 ss:$0x81] =	vst.msk $0xffff, v2;
	s31 =	sand.u32 $0x7, s13;
	s16 =	sor.u32 s17, s16;
	s17 =	sadd.s32 s3, s30  }
0x11: {  	[tilespmem:s15+$0x1020 ss:$0x81] =	vst.msk $0xffff, v0;
	s13 =	sshll.u32 s31, $0x12;
	s12 =	sadd.s32 s12, s17;
	s16 =	sshrl.u32 s16, $0x3  }
0x12: {  	[tilespmem:s15+$0x0 ss:$0x81] =	vst.msk $0xffff, v1;
	s13 =	sor.u32 $0x400, s13;
	s12 =	sadd.s32 s16, s12  }
0x13: {  	[hbm4b:s12+s13] =	stream.strided.scatter [tilespmem:s14], [sflag:$0x2], $0x2000, s8, s13, $0x20;
	[tilespmem:$0x8080] =	vst v63  }
.LBB1_5:
0x14: {  	s14 =	sadd.s32 $0x1, s9  }
0x15: {  	s12 =	sadd.s32 $0x1000, s10;
	s16 =	smov.u32 s10;
	p2 =	sgt.s32 s14, $0xC7  }
0x16: {  	s16 =	smov.u32 @p2 s12  }
0x17: {  	s14 =	simm.s32 @p2 $0x0;
	p2 =	sgt.s32 s16, $0xFFF  }
0x18: {  	s16 =	smov.u32 @p2 s2;
	p2 =	sne.s32 s11, s7  }
.Ltmp1:
0x19: {  	p1 =	slt.u32 s11, $0x2;
	(pc) =	sbr.rel @!p2 .LBB1_6-.Ltmp1, $4  }
0x1a: {  	s15 =	simm.s32 @!p1 $0x2  }
0x1b: {  	s13 =	smov.u32 s10;
	p0 =	por !p0, !p0;
	_ =	swait.ge @!p1 [sflag:s15], $0x2000  }
0x1c: {  	s12 =	smov.u32 s9;
	[sflag:s15] =	ssyncset.done @!p1 $0x0;
	s9 =	smov.u32 s14  }
0x1d: {  	s11 =	sadd.s32 $0x1, s11;
	[sflag:s15] =	ssyncadd.s32 @!p1 $0xFFFFE000;
	s10 =	smov.u32 s16  }
.LBB1_1:
0x1e: {  	p1 =	sge.u32 s11, s5  }
0x1f: {  	s14 =	sand.u32 @!p1 $0x1FFFFFF, s9  }
0x20: {  	s15 =	smulhi.u32 @!p1 $0x147AE15, s14;
	_ =	sdelay $0x1  }
0x21: {  	s15 =	smul.u32 @!p1 $0xC8, s15  }
0x22: {  	s16 =	sxor.u32 @!p1 $0xFFFFFFFF, s11;
	s17 =	smul.u32 @!p1 $0xC80, s10  }
0x23: {  	s31 =	sadd.s32 $0xFFFFFFFF, s11;
	s16 =	sshll.u32 @!p1 s16, $0xD;
	s14 =	ssub.s32 @!p1 s14, s15  }
0x24: {  	s15 =	sand.u32 @!p1 $0x2000, s16;
	s16 =	sadd.s32 @!p1 s6, s17;
	s14 =	sshll.u32 @!p1 s14, $0x4  }
0x25: {  	s17 =	simm.s32 @!p1 $0x6400;
	s14 =	sadd.s32 @!p1 s14, s16;
	s16 =	simm.s32 @!p1 $0x40  }
0x26: {  	[tilespmem:s15], [sflag:$0x1] =	stream.strided.gather @!p1 [hbm4b:s14+s16], $0x2000, s17, s16, $0x38;
	[tilespmem:$0x8080] =	vst v63  }
0x27: {  	p1 =	sge.u32 s31, s5  }
.Ltmp2:
0x28: {  	_ = 	snop;
	(pc) =	sbr.rel @p1 .LBB1_5-.Ltmp2, $1  }
0x29: {  	_ =	sdelay $0x3  }
0x2a: {  	s14 =	simm.s32 $0x1  }
0x2b: {  	_ =	swait.ge [sflag:s4], $0x2000;
	s14 =	simm.s32 @!p0 $0x0  }
0x2c: {  	[sflag:s4] =	ssyncset.done $0x0;
	s15 =	sshll.u32 s14, $0xD  }
0x2d: {  	[sflag:s4] =	ssyncadd.s32 $0xFFFFE000;
	s18 =	sor.u32 $0x20, s15  }
0x2e: {  	s14 =	smul.u32 $0x8100, s14;
	v3 =	vld [tilespmem:s18+$0x10]  }
0x2f: {  	s30 =	sand.u32 $0x1, s11;
	v2 =	vld [tilespmem:s18+$0xFFFFFFF0]  }
0x30: {  	s15 =	smul.u32 $0x8100, s30;
	s14 =	sshrl.u32 s14, $0x2;
	v0 =	vld [tilespmem:s18+$0x0]  }
0x31: {  	v1 =	vld [tilespmem:s18+$0xFFFFFFE0];
	s16 =	sor.u32 $0x4000, s14  }
0x32: {  	s31 =	sshrl.u32 s15, $0x2;
	s15 =	sadd.s32 $0x0, s16  }
0x33: {  	s17 =	simm.s32 $0x4;
	s18 =	sadd.s32 $0x40, s18;
	s14 =	sor.u32 $0x4000, s31;
	[tilespmem:s15+$0x1830 ss:$0x81] =	vst.msk $0xffff, v3  }
.LBB1_3:
0x34: {  	v3 =	vld [tilespmem:s18+$0x10];
	p1 =	sne.s32 s17, $0x1FC;
	[tilespmem:s15+$0x810 ss:$0x81] =	vst.msk $0xffff, v2;
	s19 =	smov.u32 s17;
	s17 =	sadd.s32 $0x4, s17  }
.Ltmp3:
0x35: {  	v2 =	vld [tilespmem:s18+$0xFFFFFFF0];
	[tilespmem:s15+$0x1020 ss:$0x81] =	vst.msk $0xffff, v0;
	(pc) =	sbr.rel @p1 .LBB1_3-.Ltmp3, $4  }
0x36: {  	v0 =	vld [tilespmem:s18+$0x0];
	[tilespmem:s15+$0x0 ss:$0x81] =	vst.msk $0xffff, v1  }
0x37: {  	s15 =	sshra.s32 s19, $0x2;
	v1 =	vld [tilespmem:s18+$0xFFFFFFE0]  }
0x38: {  	s15 =	sadd.s32 s15, s16  }
0x39: {  	s18 =	sadd.s32 $0x40, s18;
	[tilespmem:s15+$0x1830 ss:$0x81] =	vst.msk $0xffff, v3  }
.Ltmp4:
0x3a: {  	_ = 	snop;
	(pc) =	sbr.rel .LBB1_4-.Ltmp4, $1  }
0x3b: {  	_ =	sdelay $0x3  }
.LBB1_6:
0x3c: {  	_ =	sfence.sel $0x180000  }
0x3d: {  	s2 =	simm.s32 $0x1;
	[bflag:$0x0] =	sbarrier.arrive $0xFFFF  }
0x3e: {  	s31 =	simm.s32 $0x2;
	[sflag:s2] =	ssyncpa.u1 $0x1  }
0x3f: {  	[sflag:s31] =	ssyncpa.u1 $0x1  }
0x40: {  	p0 =	sne.s32 s0, $0x0;
	_ =	strace $0x9000004A  }
0x41: {  	s0 =	sadd.s32 @!p0 $0x100000, s1;
	[bflag:$0x2] =	sbarrier.arrive $0xFFFF  }
0x42: {  	[sflag:s0] =	ssyncadd.tile.s32 @!p0 $0x1;
	_ =	shalt  }
.Lfunc_end1:
_tile_overlayer_lowered:
.L_overlay_start_2:
0x43: {  	(tag) =	ssettag $0x2  }
0x44: {  	s0 =	rddreg [dreg:$0x0];
	s2 =	stileid.u32  }
0x45: {  	s1 =	rddreg [dreg:$0x1];
	p0 =	sne.s32 s2, $0x0  }
0x46: {  	s3 =	rddreg [dreg:$0x2];
	[bflag:$0x3] =	sbarrier.arrive $0xFFFF;
	s2 =	simm.s32 @!p0 $0x1C01  }
0x47: {  	[timem:s3], [sflag:s2] =	dma.local @!p0 [hbm:s0], s1  }
0x48: {  	s0 =	simm.s32 @!p0 $0x1  }
0x49: {  	_ =	swait.ge @!p0 [sflag:s0], s1  }
0x4a: {  	s1 =	ssub.s32 @!p0 $0x0, s1;
	[sflag:s0] =	ssyncset.done @!p0 $0x0  }
0x4b: {  	[sflag:s0] =	ssyncadd.s32 @!p0 s1  }
0x4c: {  	[bflag:$0x3] =	sbarrier.arrive $0xFFFF  }
0x4d: {  	_ =	shalt  }

</sc_bundles>
